<compile_context>
chip_gen: v7x
topology: tpu7x:2x2x1
jax: 0.10.2.dev20260603
libtpu: 0.0.44.dev20260713+nightly
codegen_flags: <defaults>
</compile_context>

<pallas_src>
import functools

import jax
import jax.numpy as jnp
from jax import lax
from jax.experimental import pallas as pl
from jax.experimental.pallas import tpu as pltpu
from jax.experimental.pallas import tpu_sc as plsc

_NC = 2
_G = 8
_K = 4


@functools.partial(jax.jit, static_argnums=(2, 3))
def _sc_row_copy(tbl, idx, n_rows, d):
    b_per_c = n_rows // _NC
    n_grp = b_per_c // _G
    mesh = plsc.ScalarSubcoreMesh(axis_name="c", num_cores=_NC)

    @functools.partial(
        pl.kernel,
        out_type=jax.ShapeDtypeStruct((n_rows, d), jnp.float32),
        mesh=mesh,
        scratch_types=[
            pltpu.SMEM((b_per_c,), jnp.int32),
            pltpu.VMEM_SHARED((_K * _G, d), jnp.float32),
            [pltpu.SemaphoreType.DMA] * _K,
            [pltpu.SemaphoreType.DMA] * _K,
        ],
    )
    def k(tbl_hbm, idx_hbm, out_hbm, idx_s, rows, gsem, ssem):
        base = lax.axis_index("c") * b_per_c
        pltpu.sync_copy(idx_hbm.at[pl.ds(base, b_per_c)], idx_s)

        def gather_grp(g, t):
            for u in range(_G):
                pltpu.make_async_copy(
                    tbl_hbm.at[pl.ds(idx_s[g * _G + u], 1)],
                    rows.at[pl.ds(t * _G + u, 1)], gsem[t]).start()

        def gather_wait(t):
            pltpu.make_async_copy(
                tbl_hbm.at[pl.ds(0, _G)],
                rows.at[pl.ds(t * _G, _G)], gsem[t]).wait()

        def scatter_grp(g, t):
            return pltpu.make_async_copy(
                rows.at[pl.ds(t * _G, _G)],
                out_hbm.at[pl.ds(base + g * _G, _G)], ssem[t])

        for t in range(_K):
            gather_grp(t, t)
        for t in range(_K):
            gather_wait(t)
            scatter_grp(t, t).start()

        n_loop = n_grp // _K
        n_tail = n_grp - n_loop * _K

        @pl.loop(1, n_loop)
        def _(j):
            g0 = j * _K
            for t in range(_K):
                scatter_grp(0, t).wait()
                gather_grp(g0 + t, t)
            for t in range(_K):
                gather_wait(t)
                scatter_grp(g0 + t, t).start()

        for t in range(n_tail):
            scatter_grp(0, t).wait()
            gather_grp(n_loop * _K + t, t)
        for t in range(n_tail):
            gather_wait(t)
            scatter_grp(n_loop * _K + t, t).start()
        for t in range(_K):
            scatter_grp(0, t).wait()

    return k(tbl, idx)


def kernel(prefix, embedding_table):
    V, D = embedding_table.shape
    B = prefix.size
    idx = prefix.reshape(-1).astype(jnp.int32)
    out = _sc_row_copy(embedding_table, idx, B, D)
    return out.reshape(*prefix.shape, D)

# --- scband reference (transcript-rebuilt; emitter-appended) ---
"""Pipeline reference for scband-prefix-encoder-23768349016207 (READ-ONLY COPY).

The authoritative reference and input builder live on the scoring server;
editing this copy changes nothing except your own understanding.
"""

import jax, jax.numpy as jnp
import numpy as np

PRE_SEQ_LEN = 512
NUM_LAYERS = 24
HIDDEN = 1024
EMBED_DIM = NUM_LAYERS * 2 * HIDDEN  # 49152


def setup_inputs(seed: int = 0) -> dict:
    key = jax.random.key(seed)
    k1, k2 = jax.random.split(key)
    prefix = jax.random.randint(k1, (8, 128), 0, PRE_SEQ_LEN, dtype=jnp.int32)
    embedding_table = jax.random.normal(k2, (PRE_SEQ_LEN, EMBED_DIM), dtype=jnp.float32) * 0.02
    return {"prefix": prefix, "embedding_table": embedding_table}


def reference(prefix, embedding_table):
    # prefix_projection=False, extra_prefix=None path:
    # past_key_values = self.embedding(prefix)
    past_key_values = jnp.take(embedding_table, prefix, axis=0)
    return past_key_values

if __name__ == "__main__":
    import jax
    _d = setup_inputs()
    print(jax.jit(kernel)(*tuple(_d.values())))

</pallas_src>

<mosaic_0001>
#map = affine_map<(d0) -> (0, 0)>
#map1 = affine_map<(d0) -> (0)>
module attributes {stable_mosaic.version = 14 : i64} {
  func.func @k(%arg0: i32, %arg1: memref<512x49152xf32, #tpu.memory_space<hbm>>, %arg2: memref<1024xi32, #tpu.memory_space<hbm>>, %arg3: memref<1024x49152xf32, #tpu.memory_space<hbm>>, %arg4: memref<512xi32, #tpu.memory_space<smem>>, %arg5: memref<32x49152xf32, #tpu.memory_space<vmem_shared>>, %arg6: memref<!tpu.dma_semaphore, #tpu.memory_space<semaphore_mem>>, %arg7: memref<!tpu.dma_semaphore, #tpu.memory_space<semaphore_mem>>, %arg8: memref<!tpu.dma_semaphore, #tpu.memory_space<semaphore_mem>>, %arg9: memref<!tpu.dma_semaphore, #tpu.memory_space<semaphore_mem>>, %arg10: memref<!tpu.dma_semaphore, #tpu.memory_space<semaphore_mem>>, %arg11: memref<!tpu.dma_semaphore, #tpu.memory_space<semaphore_mem>>, %arg12: memref<!tpu.dma_semaphore, #tpu.memory_space<semaphore_mem>>, %arg13: memref<!tpu.dma_semaphore, #tpu.memory_space<semaphore_mem>>) attributes {dimension_semantics = [#tpu.dimension_semantics<core_parallel>], iteration_bounds = array<i64: 2>, scalar_prefetch = 0 : i64, scratch_operands = 10 : i64, tpu.core_type = #tpu.core_type<sc_scalar_subcore>, window_params = [{transform_indices = #map}, {transform_indices = #map1}, {transform_indices = #map}]} {
    %mul3A = arith.constant 512 : i32
    %mul3A_0 = arith.muli %arg0, %mul3A : i32
    "tpu.region"() ({
      %run_scoped3A = tpu.sem_alloc : memref<!tpu.dma_semaphore, #tpu.memory_space<semaphore_mem>>
      %dma_start3A_337 = tpu.memref_slice %arg2[%mul3A_0] : memref<1024xi32, #tpu.memory_space<hbm>> -> memref<512xi32, #tpu.memory_space<hbm>>
      tpu.enqueue_dma source(%dma_start3A_337 : memref<512xi32, #tpu.memory_space<hbm>>) target(%arg4 : memref<512xi32, #tpu.memory_space<smem>>) target_semaphore(%run_scoped3A : memref<!tpu.dma_semaphore, #tpu.memory_space<semaphore_mem>>)
      %dma_wait3A_338 = tpu.memref_slice %arg2[%mul3A_0] : memref<1024xi32, #tpu.memory_space<hbm>> -> memref<512xi32, #tpu.memory_space<hbm>>
      tpu.wait_dma2 semaphore(%run_scoped3A : memref<!tpu.dma_semaphore, #tpu.memory_space<semaphore_mem>>) src(%dma_wait3A_338 : memref<512xi32, #tpu.memory_space<hbm>>) dst(%arg4 : memref<512xi32, #tpu.memory_space<smem>>)
      tpu.yield
    }) : () -> ()
    %get3A = arith.constant 0 : i32
    %get3A_1 = arith.index_cast %get3A : i32 to index
    %get3A_2 = memref.load %arg4[%get3A_1] : memref<512xi32, #tpu.memory_space<smem>>
    %dma_start3A = arith.constant 0 : i32
    %dma_start3A_3 = arith.constant 0 : i32
    %dma_start3A_4 = tpu.memref_slice %arg5[%dma_start3A, %dma_start3A_3] : memref<32x49152xf32, #tpu.memory_space<vmem_shared>> -> memref<1x49152xf32, #tpu.memory_space<vmem_shared>>
    %dma_start3A_5 = arith.constant 0 : i32
    %dma_start3A_6 = tpu.memref_slice %arg1[%get3A_2, %dma_start3A_5] : memref<512x49152xf32, #tpu.memory_space<hbm>> -> memref<1x49152xf32, #tpu.memory_space<hbm>>
    tpu.enqueue_dma source(%dma_start3A_6 : memref<1x49152xf32, #tpu.memory_space<hbm>>) target(%dma_start3A_4 : memref<1x49152xf32, #tpu.memory_space<vmem_shared>>) target_semaphore(%arg6 : memref<!tpu.dma_semaphore, #tpu.memory_space<semaphore_mem>>)
    %get3A_7 = arith.constant 1 : i32
    %get3A_8 = arith.index_cast %get3A_7 : i32 to index
    %get3A_9 = memref.load %arg4[%get3A_8] : memref<512xi32, #tpu.memory_space<smem>>
    %dma_start3A_10 = arith.constant 1 : i32
    %dma_start3A_11 = arith.constant 0 : i32
    %dma_start3A_12 = tpu.memref_slice %arg5[%dma_start3A_10, %dma_start3A_11] : memref<32x49152xf32, #tpu.memory_space<vmem_shared>> -> memref<1x49152xf32, #tpu.memory_space<vmem_shared>>
    %dma_start3A_13 = arith.constant 0 : i32
    %dma_start3A_14 = tpu.memref_slice %arg1[%get3A_9, %dma_start3A_13] : memref<512x49152xf32, #tpu.memory_space<hbm>> -> memref<1x49152xf32, #tpu.memory_space<hbm>>
    tpu.enqueue_dma source(%dma_start3A_14 : memref<1x49152xf32, #tpu.memory_space<hbm>>) target(%dma_start3A_12 : memref<1x49152xf32, #tpu.memory_space<vmem_shared>>) target_semaphore(%arg6 : memref<!tpu.dma_semaphore, #tpu.memory_space<semaphore_mem>>)
    %get3A_15 = arith.constant 2 : i32
    %get3A_16 = arith.index_cast %get3A_15 : i32 to index
    %get3A_17 = memref.load %arg4[%get3A_16] : memref<512xi32, #tpu.memory_space<smem>>
    %dma_start3A_18 = arith.constant 2 : i32
    %dma_start3A_19 = arith.constant 0 : i32
    %dma_start3A_20 = tpu.memref_slice %arg5[%dma_start3A_18, %dma_start3A_19] : memref<32x49152xf32, #tpu.memory_space<vmem_shared>> -> memref<1x49152xf32, #tpu.memory_space<vmem_shared>>
    %dma_start3A_21 = arith.constant 0 : i32
    %dma_start3A_22 = tpu.memref_slice %arg1[%get3A_17, %dma_start3A_21] : memref<512x49152xf32, #tpu.memory_space<hbm>> -> memref<1x49152xf32, #tpu.memory_space<hbm>>
    tpu.enqueue_dma source(%dma_start3A_22 : memref<1x49152xf32, #tpu.memory_space<hbm>>) target(%dma_start3A_20 : memref<1x49152xf32, #tpu.memory_space<vmem_shared>>) target_semaphore(%arg6 : memref<!tpu.dma_semaphore, #tpu.memory_space<semaphore_mem>>)
    %get3A_23 = arith.constant 3 : i32
    %get3A_24 = arith.index_cast %get3A_23 : i32 to index
    %get3A_25 = memref.load %arg4[%get3A_24] : memref<512xi32, #tpu.memory_space<smem>>
    %dma_start3A_26 = arith.constant 3 : i32
    %dma_start3A_27 = arith.constant 0 : i32
    %dma_start3A_28 = tpu.memref_slice %arg5[%dma_start3A_26, %dma_start3A_27] : memref<32x49152xf32, #tpu.memory_space<vmem_shared>> -> memref<1x49152xf32, #tpu.memory_space<vmem_shared>>
    %dma_start3A_29 = arith.constant 0 : i32
    %dma_start3A_30 = tpu.memref_slice %arg1[%get3A_25, %dma_start3A_29] : memref<512x49152xf32, #tpu.memory_space<hbm>> -> memref<1x49152xf32, #tpu.memory_space<hbm>>
    tpu.enqueue_dma source(%dma_start3A_30 : memref<1x49152xf32, #tpu.memory_space<hbm>>) target(%dma_start3A_28 : memref<1x49152xf32, #tpu.memory_space<vmem_shared>>) target_semaphore(%arg6 : memref<!tpu.dma_semaphore, #tpu.memory_space<semaphore_mem>>)
    %get3A_31 = arith.constant 4 : i32
    %get3A_32 = arith.index_cast %get3A_31 : i32 to index
    %get3A_33 = memref.load %arg4[%get3A_32] : memref<512xi32, #tpu.memory_space<smem>>
    %dma_start3A_34 = arith.constant 4 : i32
    %dma_start3A_35 = arith.constant 0 : i32
    %dma_start3A_36 = tpu.memref_slice %arg5[%dma_start3A_34, %dma_start3A_35] : memref<32x49152xf32, #tpu.memory_space<vmem_shared>> -> memref<1x49152xf32, #tpu.memory_space<vmem_shared>>
    %dma_start3A_37 = arith.constant 0 : i32
    %dma_start3A_38 = tpu.memref_slice %arg1[%get3A_33, %dma_start3A_37] : memref<512x49152xf32, #tpu.memory_space<hbm>> -> memref<1x49152xf32, #tpu.memory_space<hbm>>
    tpu.enqueue_dma source(%dma_start3A_38 : memref<1x49152xf32, #tpu.memory_space<hbm>>) target(%dma_start3A_36 : memref<1x49152xf32, #tpu.memory_space<vmem_shared>>) target_semaphore(%arg6 : memref<!tpu.dma_semaphore, #tpu.memory_space<semaphore_mem>>)
    %get3A_39 = arith.constant 5 : i32
    %get3A_40 = arith.index_cast %get3A_39 : i32 to index
    %get3A_41 = memref.load %arg4[%get3A_40] : memref<512xi32, #tpu.memory_space<smem>>
    %dma_start3A_42 = arith.constant 5 : i32
    %dma_start3A_43 = arith.constant 0 : i32
    %dma_start3A_44 = tpu.memref_slice %arg5[%dma_start3A_42, %dma_start3A_43] : memref<32x49152xf32, #tpu.memory_space<vmem_shared>> -> memref<1x49152xf32, #tpu.memory_space<vmem_shared>>
    %dma_start3A_45 = arith.constant 0 : i32
    %dma_start3A_46 = tpu.memref_slice %arg1[%get3A_41, %dma_start3A_45] : memref<512x49152xf32, #tpu.memory_space<hbm>> -> memref<1x49152xf32, #tpu.memory_space<hbm>>
    tpu.enqueue_dma source(%dma_start3A_46 : memref<1x49152xf32, #tpu.memory_space<hbm>>) target(%dma_start3A_44 : memref<1x49152xf32, #tpu.memory_space<vmem_shared>>) target_semaphore(%arg6 : memref<!tpu.dma_semaphore, #tpu.memory_space<semaphore_mem>>)
    %get3A_47 = arith.constant 6 : i32
    %get3A_48 = arith.index_cast %get3A_47 : i32 to index
    %get3A_49 = memref.load %arg4[%get3A_48] : memref<512xi32, #tpu.memory_space<smem>>
    %dma_start3A_50 = arith.constant 6 : i32
    %dma_start3A_51 = arith.constant 0 : i32
    %dma_start3A_52 = tpu.memref_slice %arg5[%dma_start3A_50, %dma_start3A_51] : memref<32x49152xf32, #tpu.memory_space<vmem_shared>> -> memref<1x49152xf32, #tpu.memory_space<vmem_shared>>
    %dma_start3A_53 = arith.constant 0 : i32
    %dma_start3A_54 = tpu.memref_slice %arg1[%get3A_49, %dma_start3A_53] : memref<512x49152xf32, #tpu.memory_space<hbm>> -> memref<1x49152xf32, #tpu.memory_space<hbm>>
    tpu.enqueue_dma source(%dma_start3A_54 : memref<1x49152xf32, #tpu.memory_space<hbm>>) target(%dma_start3A_52 : memref<1x49152xf32, #tpu.memory_space<vmem_shared>>) target_semaphore(%arg6 : memref<!tpu.dma_semaphore, #tpu.memory_space<semaphore_mem>>)
    %get3A_55 = arith.constant 7 : i32
    %get3A_56 = arith.index_cast %get3A_55 : i32 to index
    %get3A_57 = memref.load %arg4[%get3A_56] : memref<512xi32, #tpu.memory_space<smem>>
    %dma_start3A_58 = arith.constant 7 : i32
    %dma_start3A_59 = arith.constant 0 : i32
    %dma_start3A_60 = tpu.memref_slice %arg5[%dma_start3A_58, %dma_start3A_59] : memref<32x49152xf32, #tpu.memory_space<vmem_shared>> -> memref<1x49152xf32, #tpu.memory_space<vmem_shared>>
    %dma_start3A_61 = arith.constant 0 : i32
    %dma_start3A_62 = tpu.memref_slice %arg1[%get3A_57, %dma_start3A_61] : memref<512x49152xf32, #tpu.memory_space<hbm>> -> memref<1x49152xf32, #tpu.memory_space<hbm>>
    tpu.enqueue_dma source(%dma_start3A_62 : memref<1x49152xf32, #tpu.memory_space<hbm>>) target(%dma_start3A_60 : memref<1x49152xf32, #tpu.memory_space<vmem_shared>>) target_semaphore(%arg6 : memref<!tpu.dma_semaphore, #tpu.memory_space<semaphore_mem>>)
    %get3A_63 = arith.constant 8 : i32
    %get3A_64 = arith.index_cast %get3A_63 : i32 to index
    %get3A_65 = memref.load %arg4[%get3A_64] : memref<512xi32, #tpu.memory_space<smem>>
    %dma_start3A_66 = arith.constant 8 : i32
    %dma_start3A_67 = arith.constant 0 : i32
    %dma_start3A_68 = tpu.memref_slice %arg5[%dma_start3A_66, %dma_start3A_67] : memref<32x49152xf32, #tpu.memory_space<vmem_shared>> -> memref<1x49152xf32, #tpu.memory_space<vmem_shared>>
    %dma_start3A_69 = arith.constant 0 : i32
    %dma_start3A_70 = tpu.memref_slice %arg1[%get3A_65, %dma_start3A_69] : memref<512x49152xf32, #tpu.memory_space<hbm>> -> memref<1x49152xf32, #tpu.memory_space<hbm>>
    tpu.enqueue_dma source(%dma_start3A_70 : memref<1x49152xf32, #tpu.memory_space<hbm>>) target(%dma_start3A_68 : memref<1x49152xf32, #tpu.memory_space<vmem_shared>>) target_semaphore(%arg7 : memref<!tpu.dma_semaphore, #tpu.memory_space<semaphore_mem>>)
    %get3A_71 = arith.constant 9 : i32
    %get3A_72 = arith.index_cast %get3A_71 : i32 to index
    %get3A_73 = memref.load %arg4[%get3A_72] : memref<512xi32, #tpu.memory_space<smem>>
    %dma_start3A_74 = arith.constant 9 : i32
    %dma_start3A_75 = arith.constant 0 : i32
    %dma_start3A_76 = tpu.memref_slice %arg5[%dma_start3A_74, %dma_start3A_75] : memref<32x49152xf32, #tpu.memory_space<vmem_shared>> -> memref<1x49152xf32, #tpu.memory_space<vmem_shared>>
    %dma_start3A_77 = arith.constant 0 : i32
    %dma_start3A_78 = tpu.memref_slice %arg1[%get3A_73, %dma_start3A_77] : memref<512x49152xf32, #tpu.memory_space<hbm>> -> memref<1x49152xf32, #tpu.memory_space<hbm>>
    tpu.enqueue_dma source(%dma_start3A_78 : memref<1x49152xf32, #tpu.memory_space<hbm>>) target(%dma_start3A_76 : memref<1x49152xf32, #tpu.memory_space<vmem_shared>>) target_semaphore(%arg7 : memref<!tpu.dma_semaphore, #tpu.memory_space<semaphore_mem>>)
    %get3A_79 = arith.constant 10 : i32
    %get3A_80 = arith.index_cast %get3A_79 : i32 to index
    %get3A_81 = memref.load %arg4[%get3A_80] : memref<512xi32, #tpu.memory_space<smem>>
    %dma_start3A_82 = arith.constant 10 : i32
    %dma_start3A_83 = arith.constant 0 : i32
    %dma_start3A_84 = tpu.memref_slice %arg5[%dma_start3A_82, %dma_start3A_83] : memref<32x49152xf32, #tpu.memory_space<vmem_shared>> -> memref<1x49152xf32, #tpu.memory_space<vmem_shared>>
    %dma_start3A_85 = arith.constant 0 : i32
    %dma_start3A_86 = tpu.memref_slice %arg1[%get3A_81, %dma_start3A_85] : memref<512x49152xf32, #tpu.memory_space<hbm>> -> memref<1x49152xf32, #tpu.memory_space<hbm>>
    tpu.enqueue_dma source(%dma_start3A_86 : memref<1x49152xf32, #tpu.memory_space<hbm>>) target(%dma_start3A_84 : memref<1x49152xf32, #tpu.memory_space<vmem_shared>>) target_semaphore(%arg7 : memref<!tpu.dma_semaphore, #tpu.memory_space<semaphore_mem>>)
    %get3A_87 = arith.constant 11 : i32
    %get3A_88 = arith.index_cast %get3A_87 : i32 to index
    %get3A_89 = memref.load %arg4[%get3A_88] : memref<512xi32, #tpu.memory_space<smem>>
    %dma_start3A_90 = arith.constant 11 : i32
    %dma_start3A_91 = arith.constant 0 : i32
    %dma_start3A_92 = tpu.memref_slice %arg5[%dma_start3A_90, %dma_start3A_91] : memref<32x49152xf32, #tpu.memory_space<vmem_shared>> -> memref<1x49152xf32, #tpu.memory_space<vmem_shared>>
    %dma_start3A_93 = arith.constant 0 : i32
    %dma_start3A_94 = tpu.memref_slice %arg1[%get3A_89, %dma_start3A_93] : memref<512x49152xf32, #tpu.memory_space<hbm>> -> memref<1x49152xf32, #tpu.memory_space<hbm>>
    tpu.enqueue_dma source(%dma_start3A_94 : memref<1x49152xf32, #tpu.memory_space<hbm>>) target(%dma_start3A_92 : memref<1x49152xf32, #tpu.memory_space<vmem_shared>>) target_semaphore(%arg7 : memref<!tpu.dma_semaphore, #tpu.memory_space<semaphore_mem>>)
    %get3A_95 = arith.constant 12 : i32
    %get3A_96 = arith.index_cast %get3A_95 : i32 to index
    %get3A_97 = memref.load %arg4[%get3A_96] : memref<512xi32, #tpu.memory_space<smem>>
    %dma_start3A_98 = arith.constant 12 : i32
    %dma_start3A_99 = arith.constant 0 : i32
    %dma_start3A_100 = tpu.memref_slice %arg5[%dma_start3A_98, %dma_start3A_99] : memref<32x49152xf32, #tpu.memory_space<vmem_shared>> -> memref<1x49152xf32, #tpu.memory_space<vmem_shared>>
    %dma_start3A_101 = arith.constant 0 : i32
    %dma_start3A_102 = tpu.memref_slice %arg1[%get3A_97, %dma_start3A_101] : memref<512x49152xf32, #tpu.memory_space<hbm>> -> memref<1x49152xf32, #tpu.memory_space<hbm>>
    tpu.enqueue_dma source(%dma_start3A_102 : memref<1x49152xf32, #tpu.memory_space<hbm>>) target(%dma_start3A_100 : memref<1x49152xf32, #tpu.memory_space<vmem_shared>>) target_semaphore(%arg7 : memref<!tpu.dma_semaphore, #tpu.memory_space<semaphore_mem>>)
    %get3A_103 = arith.constant 13 : i32
    %get3A_104 = arith.index_cast %get3A_103 : i32 to index
    %get3A_105 = memref.load %arg4[%get3A_104] : memref<512xi32, #tpu.memory_space<smem>>
    %dma_start3A_106 = arith.constant 13 : i32
    %dma_start3A_107 = arith.constant 0 : i32
    %dma_start3A_108 = tpu.memref_slice %arg5[%dma_start3A_106, %dma_start3A_107] : memref<32x49152xf32, #tpu.memory_space<vmem_shared>> -> memref<1x49152xf32, #tpu.memory_space<vmem_shared>>
    %dma_start3A_109 = arith.constant 0 : i32
    %dma_start3A_110 = tpu.memref_slice %arg1[%get3A_105, %dma_start3A_109] : memref<512x49152xf32, #tpu.memory_space<hbm>> -> memref<1x49152xf32, #tpu.memory_space<hbm>>
    tpu.enqueue_dma source(%dma_start3A_110 : memref<1x49152xf32, #tpu.memory_space<hbm>>) target(%dma_start3A_108 : memref<1x49152xf32, #tpu.memory_space<vmem_shared>>) target_semaphore(%arg7 : memref<!tpu.dma_semaphore, #tpu.memory_space<semaphore_mem>>)
    %get3A_111 = arith.constant 14 : i32
    %get3A_112 = arith.index_cast %get3A_111 : i32 to index
    %get3A_113 = memref.load %arg4[%get3A_112] : memref<512xi32, #tpu.memory_space<smem>>
    %dma_start3A_114 = arith.constant 14 : i32
    %dma_start3A_115 = arith.constant 0 : i32
    %dma_start3A_116 = tpu.memref_slice %arg5[%dma_start3A_114, %dma_start3A_115] : memref<32x49152xf32, #tpu.memory_space<vmem_shared>> -> memref<1x49152xf32, #tpu.memory_space<vmem_shared>>
    %dma_start3A_117 = arith.constant 0 : i32
    %dma_start3A_118 = tpu.memref_slice %arg1[%get3A_113, %dma_start3A_117] : memref<512x49152xf32, #tpu.memory_space<hbm>> -> memref<1x49152xf32, #tpu.memory_space<hbm>>
    tpu.enqueue_dma source(%dma_start3A_118 : memref<1x49152xf32, #tpu.memory_space<hbm>>) target(%dma_start3A_116 : memref<1x49152xf32, #tpu.memory_space<vmem_shared>>) target_semaphore(%arg7 : memref<!tpu.dma_semaphore, #tpu.memory_space<semaphore_mem>>)
    %get3A_119 = arith.constant 15 : i32
    %get3A_120 = arith.index_cast %get3A_119 : i32 to index
    %get3A_121 = memref.load %arg4[%get3A_120] : memref<512xi32, #tpu.memory_space<smem>>
    %dma_start3A_122 = arith.constant 15 : i32
    %dma_start3A_123 = arith.constant 0 : i32
    %dma_start3A_124 = tpu.memref_slice %arg5[%dma_start3A_122, %dma_start3A_123] : memref<32x49152xf32, #tpu.memory_space<vmem_shared>> -> memref<1x49152xf32, #tpu.memory_space<vmem_shared>>
    %dma_start3A_125 = arith.constant 0 : i32
    %dma_start3A_126 = tpu.memref_slice %arg1[%get3A_121, %dma_start3A_125] : memref<512x49152xf32, #tpu.memory_space<hbm>> -> memref<1x49152xf32, #tpu.memory_space<hbm>>
    tpu.enqueue_dma source(%dma_start3A_126 : memref<1x49152xf32, #tpu.memory_space<hbm>>) target(%dma_start3A_124 : memref<1x49152xf32, #tpu.memory_space<vmem_shared>>) target_semaphore(%arg7 : memref<!tpu.dma_semaphore, #tpu.memory_space<semaphore_mem>>)
    %get3A_127 = arith.constant 16 : i32
    %get3A_128 = arith.index_cast %get3A_127 : i32 to index
    %get3A_129 = memref.load %arg4[%get3A_128] : memref<512xi32, #tpu.memory_space<smem>>
    %dma_start3A_130 = arith.constant 16 : i32
    %dma_start3A_131 = arith.constant 0 : i32
    %dma_start3A_132 = tpu.memref_slice %arg5[%dma_start3A_130, %dma_start3A_131] : memref<32x49152xf32, #tpu.memory_space<vmem_shared>> -> memref<1x49152xf32, #tpu.memory_space<vmem_shared>>
    %dma_start3A_133 = arith.constant 0 : i32
    %dma_start3A_134 = tpu.memref_slice %arg1[%get3A_129, %dma_start3A_133] : memref<512x49152xf32, #tpu.memory_space<hbm>> -> memref<1x49152xf32, #tpu.memory_space<hbm>>
    tpu.enqueue_dma source(%dma_start3A_134 : memref<1x49152xf32, #tpu.memory_space<hbm>>) target(%dma_start3A_132 : memref<1x49152xf32, #tpu.memory_space<vmem_shared>>) target_semaphore(%arg8 : memref<!tpu.dma_semaphore, #tpu.memory_space<semaphore_mem>>)
    %get3A_135 = arith.constant 17 : i32
    %get3A_136 = arith.index_cast %get3A_135 : i32 to index
    %get3A_137 = memref.load %arg4[%get3A_136] : memref<512xi32, #tpu.memory_space<smem>>
    %dma_start3A_138 = arith.constant 17 : i32
    %dma_start3A_139 = arith.constant 0 : i32
    %dma_start3A_140 = tpu.memref_slice %arg5[%dma_start3A_138, %dma_start3A_139] : memref<32x49152xf32, #tpu.memory_space<vmem_shared>> -> memref<1x49152xf32, #tpu.memory_space<vmem_shared>>
    %dma_start3A_141 = arith.constant 0 : i32
    %dma_start3A_142 = tpu.memref_slice %arg1[%get3A_137, %dma_start3A_141] : memref<512x49152xf32, #tpu.memory_space<hbm>> -> memref<1x49152xf32, #tpu.memory_space<hbm>>
    tpu.enqueue_dma source(%dma_start3A_142 : memref<1x49152xf32, #tpu.memory_space<hbm>>) target(%dma_start3A_140 : memref<1x49152xf32, #tpu.memory_space<vmem_shared>>) target_semaphore(%arg8 : memref<!tpu.dma_semaphore, #tpu.memory_space<semaphore_mem>>)
    %get3A_143 = arith.constant 18 : i32
    %get3A_144 = arith.index_cast %get3A_143 : i32 to index
    %get3A_145 = memref.load %arg4[%get3A_144] : memref<512xi32, #tpu.memory_space<smem>>
    %dma_start3A_146 = arith.constant 18 : i32
    %dma_start3A_147 = arith.constant 0 : i32
    %dma_start3A_148 = tpu.memref_slice %arg5[%dma_start3A_146, %dma_start3A_147] : memref<32x49152xf32, #tpu.memory_space<vmem_shared>> -> memref<1x49152xf32, #tpu.memory_space<vmem_shared>>
    %dma_start3A_149 = arith.constant 0 : i32
    %dma_start3A_150 = tpu.memref_slice %arg1[%get3A_145, %dma_start3A_149] : memref<512x49152xf32, #tpu.memory_space<hbm>> -> memref<1x49152xf32, #tpu.memory_space<hbm>>
    tpu.enqueue_dma source(%dma_start3A_150 : memref<1x49152xf32, #tpu.memory_space<hbm>>) target(%dma_start3A_148 : memref<1x49152xf32, #tpu.memory_space<vmem_shared>>) target_semaphore(%arg8 : memref<!tpu.dma_semaphore, #tpu.memory_space<semaphore_mem>>)
    %get3A_151 = arith.constant 19 : i32
    %get3A_152 = arith.index_cast %get3A_151 : i32 to index
    %get3A_153 = memref.load %arg4[%get3A_152] : memref<512xi32, #tpu.memory_space<smem>>
    %dma_start3A_154 = arith.constant 19 : i32
    %dma_start3A_155 = arith.constant 0 : i32
    %dma_start3A_156 = tpu.memref_slice %arg5[%dma_start3A_154, %dma_start3A_155] : memref<32x49152xf32, #tpu.memory_space<vmem_shared>> -> memref<1x49152xf32, #tpu.memory_space<vmem_shared>>
    %dma_start3A_157 = arith.constant 0 : i32
    %dma_start3A_158 = tpu.memref_slice %arg1[%get3A_153, %dma_start3A_157] : memref<512x49152xf32, #tpu.memory_space<hbm>> -> memref<1x49152xf32, #tpu.memory_space<hbm>>
    tpu.enqueue_dma source(%dma_start3A_158 : memref<1x49152xf32, #tpu.memory_space<hbm>>) target(%dma_start3A_156 : memref<1x49152xf32, #tpu.memory_space<vmem_shared>>) target_semaphore(%arg8 : memref<!tpu.dma_semaphore, #tpu.memory_space<semaphore_mem>>)
    %get3A_159 = arith.constant 20 : i32
    %get3A_160 = arith.index_cast %get3A_159 : i32 to index
    %get3A_161 = memref.load %arg4[%get3A_160] : memref<512xi32, #tpu.memory_space<smem>>
    %dma_start3A_162 = arith.constant 20 : i32
    %dma_start3A_163 = arith.constant 0 : i32
    %dma_start3A_164 = tpu.memref_slice %arg5[%dma_start3A_162, %dma_start3A_163] : memref<32x49152xf32, #tpu.memory_space<vmem_shared>> -> memref<1x49152xf32, #tpu.memory_space<vmem_shared>>
    %dma_start3A_165 = arith.constant 0 : i32
    %dma_start3A_166 = tpu.memref_slice %arg1[%get3A_161, %dma_start3A_165] : memref<512x49152xf32, #tpu.memory_space<hbm>> -> memref<1x49152xf32, #tpu.memory_space<hbm>>
    tpu.enqueue_dma source(%dma_start3A_166 : memref<1x49152xf32, #tpu.memory_space<hbm>>) target(%dma_start3A_164 : memref<1x49152xf32, #tpu.memory_space<vmem_shared>>) target_semaphore(%arg8 : memref<!tpu.dma_semaphore, #tpu.memory_space<semaphore_mem>>)
    %get3A_167 = arith.constant 21 : i32
    %get3A_168 = arith.index_cast %get3A_167 : i32 to index
    %get3A_169 = memref.load %arg4[%get3A_168] : memref<512xi32, #tpu.memory_space<smem>>
    %dma_start3A_170 = arith.constant 21 : i32
    %dma_start3A_171 = arith.constant 0 : i32
    %dma_start3A_172 = tpu.memref_slice %arg5[%dma_start3A_170, %dma_start3A_171] : memref<32x49152xf32, #tpu.memory_space<vmem_shared>> -> memref<1x49152xf32, #tpu.memory_space<vmem_shared>>
    %dma_start3A_173 = arith.constant 0 : i32
    %dma_start3A_174 = tpu.memref_slice %arg1[%get3A_169, %dma_start3A_173] : memref<512x49152xf32, #tpu.memory_space<hbm>> -> memref<1x49152xf32, #tpu.memory_space<hbm>>
    tpu.enqueue_dma source(%dma_start3A_174 : memref<1x49152xf32, #tpu.memory_space<hbm>>) target(%dma_start3A_172 : memref<1x49152xf32, #tpu.memory_space<vmem_shared>>) target_semaphore(%arg8 : memref<!tpu.dma_semaphore, #tpu.memory_space<semaphore_mem>>)
    %get3A_175 = arith.constant 22 : i32
    %get3A_176 = arith.index_cast %get3A_175 : i32 to index
    %get3A_177 = memref.load %arg4[%get3A_176] : memref<512xi32, #tpu.memory_space<smem>>
    %dma_start3A_178 = arith.constant 22 : i32
    %dma_start3A_179 = arith.constant 0 : i32
    %dma_start3A_180 = tpu.memref_slice %arg5[%dma_start3A_178, %dma_start3A_179] : memref<32x49152xf32, #tpu.memory_space<vmem_shared>> -> memref<1x49152xf32, #tpu.memory_space<vmem_shared>>
    %dma_start3A_181 = arith.constant 0 : i32
    %dma_start3A_182 = tpu.memref_slice %arg1[%get3A_177, %dma_start3A_181] : memref<512x49152xf32, #tpu.memory_space<hbm>> -> memref<1x49152xf32, #tpu.memory_space<hbm>>
    tpu.enqueue_dma source(%dma_start3A_182 : memref<1x49152xf32, #tpu.memory_space<hbm>>) target(%dma_start3A_180 : memref<1x49152xf32, #tpu.memory_space<vmem_shared>>) target_semaphore(%arg8 : memref<!tpu.dma_semaphore, #tpu.memory_space<semaphore_mem>>)
    %get3A_183 = arith.constant 23 : i32
    %get3A_184 = arith.index_cast %get3A_183 : i32 to index
    %get3A_185 = memref.load %arg4[%get3A_184] : memref<512xi32, #tpu.memory_space<smem>>
    %dma_start3A_186 = arith.constant 23 : i32
    %dma_start3A_187 = arith.constant 0 : i32
    %dma_start3A_188 = tpu.memref_slice %arg5[%dma_start3A_186, %dma_start3A_187] : memref<32x49152xf32, #tpu.memory_space<vmem_shared>> -> memref<1x49152xf32, #tpu.memory_space<vmem_shared>>
    %dma_start3A_189 = arith.constant 0 : i32
    %dma_start3A_190 = tpu.memref_slice %arg1[%get3A_185, %dma_start3A_189] : memref<512x49152xf32, #tpu.memory_space<hbm>> -> memref<1x49152xf32, #tpu.memory_space<hbm>>
    tpu.enqueue_dma source(%dma_start3A_190 : memref<1x49152xf32, #tpu.memory_space<hbm>>) target(%dma_start3A_188 : memref<1x49152xf32, #tpu.memory_space<vmem_shared>>) target_semaphore(%arg8 : memref<!tpu.dma_semaphore, #tpu.memory_space<semaphore_mem>>)
    %get3A_191 = arith.constant 24 : i32
    %get3A_192 = arith.index_cast %get3A_191 : i32 to index
    %get3A_193 = memref.load %arg4[%get3A_192] : memref<512xi32, #tpu.memory_space<smem>>
    %dma_start3A_194 = arith.constant 24 : i32
    %dma_start3A_195 = arith.constant 0 : i32
    %dma_start3A_196 = tpu.memref_slice %arg5[%dma_start3A_194, %dma_start3A_195] : memref<32x49152xf32, #tpu.memory_space<vmem_shared>> -> memref<1x49152xf32, #tpu.memory_space<vmem_shared>>
    %dma_start3A_197 = arith.constant 0 : i32
    %dma_start3A_198 = tpu.memref_slice %arg1[%get3A_193, %dma_start3A_197] : memref<512x49152xf32, #tpu.memory_space<hbm>> -> memref<1x49152xf32, #tpu.memory_space<hbm>>
    tpu.enqueue_dma source(%dma_start3A_198 : memref<1x49152xf32, #tpu.memory_space<hbm>>) target(%dma_start3A_196 : memref<1x49152xf32, #tpu.memory_space<vmem_shared>>) target_semaphore(%arg9 : memref<!tpu.dma_semaphore, #tpu.memory_space<semaphore_mem>>)
    %get3A_199 = arith.constant 25 : i32
    %get3A_200 = arith.index_cast %get3A_199 : i32 to index
    %get3A_201 = memref.load %arg4[%get3A_200] : memref<512xi32, #tpu.memory_space<smem>>
    %dma_start3A_202 = arith.constant 25 : i32
    %dma_start3A_203 = arith.constant 0 : i32
    %dma_start3A_204 = tpu.memref_slice %arg5[%dma_start3A_202, %dma_start3A_203] : memref<32x49152xf32, #tpu.memory_space<vmem_shared>> -> memref<1x49152xf32, #tpu.memory_space<vmem_shared>>
    %dma_start3A_205 = arith.constant 0 : i32
    %dma_start3A_206 = tpu.memref_slice %arg1[%get3A_201, %dma_start3A_205] : memref<512x49152xf32, #tpu.memory_space<hbm>> -> memref<1x49152xf32, #tpu.memory_space<hbm>>
    tpu.enqueue_dma source(%dma_start3A_206 : memref<1x49152xf32, #tpu.memory_space<hbm>>) target(%dma_start3A_204 : memref<1x49152xf32, #tpu.memory_space<vmem_shared>>) target_semaphore(%arg9 : memref<!tpu.dma_semaphore, #tpu.memory_space<semaphore_mem>>)
    %get3A_207 = arith.constant 26 : i32
    %get3A_208 = arith.index_cast %get3A_207 : i32 to index
    %get3A_209 = memref.load %arg4[%get3A_208] : memref<512xi32, #tpu.memory_space<smem>>
    %dma_start3A_210 = arith.constant 26 : i32
    %dma_start3A_211 = arith.constant 0 : i32
    %dma_start3A_212 = tpu.memref_slice %arg5[%dma_start3A_210, %dma_start3A_211] : memref<32x49152xf32, #tpu.memory_space<vmem_shared>> -> memref<1x49152xf32, #tpu.memory_space<vmem_shared>>
    %dma_start3A_213 = arith.constant 0 : i32
    %dma_start3A_214 = tpu.memref_slice %arg1[%get3A_209, %dma_start3A_213] : memref<512x49152xf32, #tpu.memory_space<hbm>> -> memref<1x49152xf32, #tpu.memory_space<hbm>>
    tpu.enqueue_dma source(%dma_start3A_214 : memref<1x49152xf32, #tpu.memory_space<hbm>>) target(%dma_start3A_212 : memref<1x49152xf32, #tpu.memory_space<vmem_shared>>) target_semaphore(%arg9 : memref<!tpu.dma_semaphore, #tpu.memory_space<semaphore_mem>>)
    %get3A_215 = arith.constant 27 : i32
    %get3A_216 = arith.index_cast %get3A_215 : i32 to index
    %get3A_217 = memref.load %arg4[%get3A_216] : memref<512xi32, #tpu.memory_space<smem>>
    %dma_start3A_218 = arith.constant 27 : i32
    %dma_start3A_219 = arith.constant 0 : i32
    %dma_start3A_220 = tpu.memref_slice %arg5[%dma_start3A_218, %dma_start3A_219] : memref<32x49152xf32, #tpu.memory_space<vmem_shared>> -> memref<1x49152xf32, #tpu.memory_space<vmem_shared>>
    %dma_start3A_221 = arith.constant 0 : i32
    %dma_start3A_222 = tpu.memref_slice %arg1[%get3A_217, %dma_start3A_221] : memref<512x49152xf32, #tpu.memory_space<hbm>> -> memref<1x49152xf32, #tpu.memory_space<hbm>>
    tpu.enqueue_dma source(%dma_start3A_222 : memref<1x49152xf32, #tpu.memory_space<hbm>>) target(%dma_start3A_220 : memref<1x49152xf32, #tpu.memory_space<vmem_shared>>) target_semaphore(%arg9 : memref<!tpu.dma_semaphore, #tpu.memory_space<semaphore_mem>>)
    %get3A_223 = arith.constant 28 : i32
    %get3A_224 = arith.index_cast %get3A_223 : i32 to index
    %get3A_225 = memref.load %arg4[%get3A_224] : memref<512xi32, #tpu.memory_space<smem>>
    %dma_start3A_226 = arith.constant 28 : i32
    %dma_start3A_227 = arith.constant 0 : i32
    %dma_start3A_228 = tpu.memref_slice %arg5[%dma_start3A_226, %dma_start3A_227] : memref<32x49152xf32, #tpu.memory_space<vmem_shared>> -> memref<1x49152xf32, #tpu.memory_space<vmem_shared>>
    %dma_start3A_229 = arith.constant 0 : i32
    %dma_start3A_230 = tpu.memref_slice %arg1[%get3A_225, %dma_start3A_229] : memref<512x49152xf32, #tpu.memory_space<hbm>> -> memref<1x49152xf32, #tpu.memory_space<hbm>>
    tpu.enqueue_dma source(%dma_start3A_230 : memref<1x49152xf32, #tpu.memory_space<hbm>>) target(%dma_start3A_228 : memref<1x49152xf32, #tpu.memory_space<vmem_shared>>) target_semaphore(%arg9 : memref<!tpu.dma_semaphore, #tpu.memory_space<semaphore_mem>>)
    %get3A_231 = arith.constant 29 : i32
    %get3A_232 = arith.index_cast %get3A_231 : i32 to index
    %get3A_233 = memref.load %arg4[%get3A_232] : memref<512xi32, #tpu.memory_space<smem>>
    %dma_start3A_234 = arith.constant 29 : i32
    %dma_start3A_235 = arith.constant 0 : i32
    %dma_start3A_236 = tpu.memref_slice %arg5[%dma_start3A_234, %dma_start3A_235] : memref<32x49152xf32, #tpu.memory_space<vmem_shared>> -> memref<1x49152xf32, #tpu.memory_space<vmem_shared>>
    %dma_start3A_237 = arith.constant 0 : i32
    %dma_start3A_238 = tpu.memref_slice %arg1[%get3A_233, %dma_start3A_237] : memref<512x49152xf32, #tpu.memory_space<hbm>> -> memref<1x49152xf32, #tpu.memory_space<hbm>>
    tpu.enqueue_dma source(%dma_start3A_238 : memref<1x49152xf32, #tpu.memory_space<hbm>>) target(%dma_start3A_236 : memref<1x49152xf32, #tpu.memory_space<vmem_shared>>) target_semaphore(%arg9 : memref<!tpu.dma_semaphore, #tpu.memory_space<semaphore_mem>>)
    %get3A_239 = arith.constant 30 : i32
    %get3A_240 = arith.index_cast %get3A_239 : i32 to index
    %get3A_241 = memref.load %arg4[%get3A_240] : memref<512xi32, #tpu.memory_space<smem>>
    %dma_start3A_242 = arith.constant 30 : i32
    %dma_start3A_243 = arith.constant 0 : i32
    %dma_start3A_244 = tpu.memref_slice %arg5[%dma_start3A_242, %dma_start3A_243] : memref<32x49152xf32, #tpu.memory_space<vmem_shared>> -> memref<1x49152xf32, #tpu.memory_space<vmem_shared>>
    %dma_start3A_245 = arith.constant 0 : i32
    %dma_start3A_246 = tpu.memref_slice %arg1[%get3A_241, %dma_start3A_245] : memref<512x49152xf32, #tpu.memory_space<hbm>> -> memref<1x49152xf32, #tpu.memory_space<hbm>>
    tpu.enqueue_dma source(%dma_start3A_246 : memref<1x49152xf32, #tpu.memory_space<hbm>>) target(%dma_start3A_244 : memref<1x49152xf32, #tpu.memory_space<vmem_shared>>) target_semaphore(%arg9 : memref<!tpu.dma_semaphore, #tpu.memory_space<semaphore_mem>>)
    %get3A_247 = arith.constant 31 : i32
    %get3A_248 = arith.index_cast %get3A_247 : i32 to index
    %get3A_249 = memref.load %arg4[%get3A_248] : memref<512xi32, #tpu.memory_space<smem>>
    %dma_start3A_250 = arith.constant 31 : i32
    %dma_start3A_251 = arith.constant 0 : i32
    %dma_start3A_252 = tpu.memref_slice %arg5[%dma_start3A_250, %dma_start3A_251] : memref<32x49152xf32, #tpu.memory_space<vmem_shared>> -> memref<1x49152xf32, #tpu.memory_space<vmem_shared>>
    %dma_start3A_253 = arith.constant 0 : i32
    %dma_start3A_254 = tpu.memref_slice %arg1[%get3A_249, %dma_start3A_253] : memref<512x49152xf32, #tpu.memory_space<hbm>> -> memref<1x49152xf32, #tpu.memory_space<hbm>>
    tpu.enqueue_dma source(%dma_start3A_254 : memref<1x49152xf32, #tpu.memory_space<hbm>>) target(%dma_start3A_252 : memref<1x49152xf32, #tpu.memory_space<vmem_shared>>) target_semaphore(%arg9 : memref<!tpu.dma_semaphore, #tpu.memory_space<semaphore_mem>>)
    %dma_wait3A = arith.constant 0 : i32
    %dma_wait3A_255 = arith.constant 0 : i32
    %dma_wait3A_256 = tpu.memref_slice %arg5[%dma_wait3A, %dma_wait3A_255] : memref<32x49152xf32, #tpu.memory_space<vmem_shared>> -> memref<8x49152xf32, #tpu.memory_space<vmem_shared>>
    %dma_wait3A_257 = arith.constant 0 : i32
    %dma_wait3A_258 = arith.constant 0 : i32
    %dma_wait3A_259 = tpu.memref_slice %arg1[%dma_wait3A_257, %dma_wait3A_258] : memref<512x49152xf32, #tpu.memory_space<hbm>> -> memref<8x49152xf32, #tpu.memory_space<hbm>>
    tpu.wait_dma2 semaphore(%arg6 : memref<!tpu.dma_semaphore, #tpu.memory_space<semaphore_mem>>) src(%dma_wait3A_259 : memref<8x49152xf32, #tpu.memory_space<hbm>>) dst(%dma_wait3A_256 : memref<8x49152xf32, #tpu.memory_space<vmem_shared>>)
    %add3A = arith.constant 0 : i32
    %add3A_260 = arith.addi %mul3A_0, %add3A : i32
    %dma_start3A_261 = arith.constant 0 : i32
    %dma_start3A_262 = tpu.memref_slice %arg3[%add3A_260, %dma_start3A_261] : memref<1024x49152xf32, #tpu.memory_space<hbm>> -> memref<8x49152xf32, #tpu.memory_space<hbm>>
    %dma_start3A_263 = arith.constant 0 : i32
    %dma_start3A_264 = arith.constant 0 : i32
    %dma_start3A_265 = tpu.memref_slice %arg5[%dma_start3A_263, %dma_start3A_264] : memref<32x49152xf32, #tpu.memory_space<vmem_shared>> -> memref<8x49152xf32, #tpu.memory_space<vmem_shared>>
    tpu.enqueue_dma source(%dma_start3A_265 : memref<8x49152xf32, #tpu.memory_space<vmem_shared>>) target(%dma_start3A_262 : memref<8x49152xf32, #tpu.memory_space<hbm>>) target_semaphore(%arg10 : memref<!tpu.dma_semaphore, #tpu.memory_space<semaphore_mem>>)
    %dma_wait3A_266 = arith.constant 8 : i32
    %dma_wait3A_267 = arith.constant 0 : i32
    %dma_wait3A_268 = tpu.memref_slice %arg5[%dma_wait3A_266, %dma_wait3A_267] : memref<32x49152xf32, #tpu.memory_space<vmem_shared>> -> memref<8x49152xf32, #tpu.memory_space<vmem_shared>>
    %dma_wait3A_269 = arith.constant 0 : i32
    %dma_wait3A_270 = arith.constant 0 : i32
    %dma_wait3A_271 = tpu.memref_slice %arg1[%dma_wait3A_269, %dma_wait3A_270] : memref<512x49152xf32, #tpu.memory_space<hbm>> -> memref<8x49152xf32, #tpu.memory_space<hbm>>
    tpu.wait_dma2 semaphore(%arg7 : memref<!tpu.dma_semaphore, #tpu.memory_space<semaphore_mem>>) src(%dma_wait3A_271 : memref<8x49152xf32, #tpu.memory_space<hbm>>) dst(%dma_wait3A_268 : memref<8x49152xf32, #tpu.memory_space<vmem_shared>>)
    %add3A_272 = arith.constant 8 : i32
    %add3A_273 = arith.addi %mul3A_0, %add3A_272 : i32
    %dma_start3A_274 = arith.constant 0 : i32
    %dma_start3A_275 = tpu.memref_slice %arg3[%add3A_273, %dma_start3A_274] : memref<1024x49152xf32, #tpu.memory_space<hbm>> -> memref<8x49152xf32, #tpu.memory_space<hbm>>
    %dma_start3A_276 = arith.constant 8 : i32
    %dma_start3A_277 = arith.constant 0 : i32
    %dma_start3A_278 = tpu.memref_slice %arg5[%dma_start3A_276, %dma_start3A_277] : memref<32x49152xf32, #tpu.memory_space<vmem_shared>> -> memref<8x49152xf32, #tpu.memory_space<vmem_shared>>
    tpu.enqueue_dma source(%dma_start3A_278 : memref<8x49152xf32, #tpu.memory_space<vmem_shared>>) target(%dma_start3A_275 : memref<8x49152xf32, #tpu.memory_space<hbm>>) target_semaphore(%arg11 : memref<!tpu.dma_semaphore, #tpu.memory_space<semaphore_mem>>)
    %dma_wait3A_279 = arith.constant 16 : i32
    %dma_wait3A_280 = arith.constant 0 : i32
    %dma_wait3A_281 = tpu.memref_slice %arg5[%dma_wait3A_279, %dma_wait3A_280] : memref<32x49152xf32, #tpu.memory_space<vmem_shared>> -> memref<8x49152xf32, #tpu.memory_space<vmem_shared>>
    %dma_wait3A_282 = arith.constant 0 : i32
    %dma_wait3A_283 = arith.constant 0 : i32
    %dma_wait3A_284 = tpu.memref_slice %arg1[%dma_wait3A_282, %dma_wait3A_283] : memref<512x49152xf32, #tpu.memory_space<hbm>> -> memref<8x49152xf32, #tpu.memory_space<hbm>>
    tpu.wait_dma2 semaphore(%arg8 : memref<!tpu.dma_semaphore, #tpu.memory_space<semaphore_mem>>) src(%dma_wait3A_284 : memref<8x49152xf32, #tpu.memory_space<hbm>>) dst(%dma_wait3A_281 : memref<8x49152xf32, #tpu.memory_space<vmem_shared>>)
    %add3A_285 = arith.constant 16 : i32
    %add3A_286 = arith.addi %mul3A_0, %add3A_285 : i32
    %dma_start3A_287 = arith.constant 0 : i32
    %dma_start3A_288 = tpu.memref_slice %arg3[%add3A_286, %dma_start3A_287] : memref<1024x49152xf32, #tpu.memory_space<hbm>> -> memref<8x49152xf32, #tpu.memory_space<hbm>>
    %dma_start3A_289 = arith.constant 16 : i32
    %dma_start3A_290 = arith.constant 0 : i32
    %dma_start3A_291 = tpu.memref_slice %arg5[%dma_start3A_289, %dma_start3A_290] : memref<32x49152xf32, #tpu.memory_space<vmem_shared>> -> memref<8x49152xf32, #tpu.memory_space<vmem_shared>>
    tpu.enqueue_dma source(%dma_start3A_291 : memref<8x49152xf32, #tpu.memory_space<vmem_shared>>) target(%dma_start3A_288 : memref<8x49152xf32, #tpu.memory_space<hbm>>) target_semaphore(%arg12 : memref<!tpu.dma_semaphore, #tpu.memory_space<semaphore_mem>>)
    %dma_wait3A_292 = arith.constant 24 : i32
    %dma_wait3A_293 = arith.constant 0 : i32
    %dma_wait3A_294 = tpu.memref_slice %arg5[%dma_wait3A_292, %dma_wait3A_293] : memref<32x49152xf32, #tpu.memory_space<vmem_shared>> -> memref<8x49152xf32, #tpu.memory_space<vmem_shared>>
    %dma_wait3A_295 = arith.constant 0 : i32
    %dma_wait3A_296 = arith.constant 0 : i32
    %dma_wait3A_297 = tpu.memref_slice %arg1[%dma_wait3A_295, %dma_wait3A_296] : memref<512x49152xf32, #tpu.memory_space<hbm>> -> memref<8x49152xf32, #tpu.memory_space<hbm>>
    tpu.wait_dma2 semaphore(%arg9 : memref<!tpu.dma_semaphore, #tpu.memory_space<semaphore_mem>>) src(%dma_wait3A_297 : memref<8x49152xf32, #tpu.memory_space<hbm>>) dst(%dma_wait3A_294 : memref<8x49152xf32, #tpu.memory_space<vmem_shared>>)
    %add3A_298 = arith.constant 24 : i32
    %add3A_299 = arith.addi %mul3A_0, %add3A_298 : i32
    %dma_start3A_300 = arith.constant 0 : i32
    %dma_start3A_301 = tpu.memref_slice %arg3[%add3A_299, %dma_start3A_300] : memref<1024x49152xf32, #tpu.memory_space<hbm>> -> memref<8x49152xf32, #tpu.memory_space<hbm>>
    %dma_start3A_302 = arith.constant 24 : i32
    %dma_start3A_303 = arith.constant 0 : i32
    %dma_start3A_304 = tpu.memref_slice %arg5[%dma_start3A_302, %dma_start3A_303] : memref<32x49152xf32, #tpu.memory_space<vmem_shared>> -> memref<8x49152xf32, #tpu.memory_space<vmem_shared>>
    tpu.enqueue_dma source(%dma_start3A_304 : memref<8x49152xf32, #tpu.memory_space<vmem_shared>>) target(%dma_start3A_301 : memref<8x49152xf32, #tpu.memory_space<hbm>>) target_semaphore(%arg13 : memref<!tpu.dma_semaphore, #tpu.memory_space<semaphore_mem>>)
    %scan3A = arith.constant 0 : i32
    %scan3A_305 = arith.constant 15 : i32
    %scan3A_306 = arith.addi %scan3A, %scan3A_305 : i32
    %scan3A_307 = arith.constant 1 : i32
    scf.for %scan3A_337 = %scan3A to %scan3A_306 step %scan3A_307  : i32 {
      %mul3A_338 = arith.constant 1 : i32
      %mul3A_339 = arith.muli %scan3A_337, %mul3A_338 : i32
      %add3A_340 = arith.constant 1 : i32
      %add3A_341 = arith.addi %add3A_340, %mul3A_339 : i32
      %mul3A_342 = arith.constant 4 : i32
      %mul3A_343 = arith.muli %add3A_341, %mul3A_342 : i32
      %add3A_344 = arith.constant 0 : i32
      %add3A_345 = arith.addi %mul3A_0, %add3A_344 : i32
      %dma_wait3A_346 = arith.constant 0 : i32
      %dma_wait3A_347 = tpu.memref_slice %arg3[%add3A_345, %dma_wait3A_346] : memref<1024x49152xf32, #tpu.memory_space<hbm>> -> memref<8x49152xf32, #tpu.memory_space<hbm>>
      %dma_wait3A_348 = arith.constant 0 : i32
      %dma_wait3A_349 = arith.constant 0 : i32
      %dma_wait3A_350 = tpu.memref_slice %arg5[%dma_wait3A_348, %dma_wait3A_349] : memref<32x49152xf32, #tpu.memory_space<vmem_shared>> -> memref<8x49152xf32, #tpu.memory_space<vmem_shared>>
      tpu.wait_dma2 semaphore(%arg10 : memref<!tpu.dma_semaphore, #tpu.memory_space<semaphore_mem>>) src(%dma_wait3A_350 : memref<8x49152xf32, #tpu.memory_space<vmem_shared>>) dst(%dma_wait3A_347 : memref<8x49152xf32, #tpu.memory_space<hbm>>)
      %add3A_351 = arith.constant 0 : i32
      %add3A_352 = arith.addi %mul3A_343, %add3A_351 : i32
      %mul3A_353 = arith.constant 8 : i32
      %mul3A_354 = arith.muli %add3A_352, %mul3A_353 : i32
      %add3A_355 = arith.constant 0 : i32
      %add3A_356 = arith.addi %mul3A_354, %add3A_355 : i32
      %get3A_357 = arith.index_cast %add3A_356 : i32 to index
      %get3A_358 = memref.load %arg4[%get3A_357] : memref<512xi32, #tpu.memory_space<smem>>
      %dma_start3A_359 = arith.constant 0 : i32
      %dma_start3A_360 = arith.constant 0 : i32
      %dma_start3A_361 = tpu.memref_slice %arg5[%dma_start3A_359, %dma_start3A_360] : memref<32x49152xf32, #tpu.memory_space<vmem_shared>> -> memref<1x49152xf32, #tpu.memory_space<vmem_shared>>
      %dma_start3A_362 = arith.constant 0 : i32
      %dma_start3A_363 = tpu.memref_slice %arg1[%get3A_358, %dma_start3A_362] : memref<512x49152xf32, #tpu.memory_space<hbm>> -> memref<1x49152xf32, #tpu.memory_space<hbm>>
      tpu.enqueue_dma source(%dma_start3A_363 : memref<1x49152xf32, #tpu.memory_space<hbm>>) target(%dma_start3A_361 : memref<1x49152xf32, #tpu.memory_space<vmem_shared>>) target_semaphore(%arg6 : memref<!tpu.dma_semaphore, #tpu.memory_space<semaphore_mem>>)
      %mul3A_364 = arith.constant 8 : i32
      %mul3A_365 = arith.muli %add3A_352, %mul3A_364 : i32
      %add3A_366 = arith.constant 1 : i32
      %add3A_367 = arith.addi %mul3A_365, %add3A_366 : i32
      %get3A_368 = arith.index_cast %add3A_367 : i32 to index
      %get3A_369 = memref.load %arg4[%get3A_368] : memref<512xi32, #tpu.memory_space<smem>>
      %dma_start3A_370 = arith.constant 1 : i32
      %dma_start3A_371 = arith.constant 0 : i32
      %dma_start3A_372 = tpu.memref_slice %arg5[%dma_start3A_370, %dma_start3A_371] : memref<32x49152xf32, #tpu.memory_space<vmem_shared>> -> memref<1x49152xf32, #tpu.memory_space<vmem_shared>>
      %dma_start3A_373 = arith.constant 0 : i32
      %dma_start3A_374 = tpu.memref_slice %arg1[%get3A_369, %dma_start3A_373] : memref<512x49152xf32, #tpu.memory_space<hbm>> -> memref<1x49152xf32, #tpu.memory_space<hbm>>
      tpu.enqueue_dma source(%dma_start3A_374 : memref<1x49152xf32, #tpu.memory_space<hbm>>) target(%dma_start3A_372 : memref<1x49152xf32, #tpu.memory_space<vmem_shared>>) target_semaphore(%arg6 : memref<!tpu.dma_semaphore, #tpu.memory_space<semaphore_mem>>)
      %mul3A_375 = arith.constant 8 : i32
      %mul3A_376 = arith.muli %add3A_352, %mul3A_375 : i32
      %add3A_377 = arith.constant 2 : i32
      %add3A_378 = arith.addi %mul3A_376, %add3A_377 : i32
      %get3A_379 = arith.index_cast %add3A_378 : i32 to index
      %get3A_380 = memref.load %arg4[%get3A_379] : memref<512xi32, #tpu.memory_space<smem>>
      %dma_start3A_381 = arith.constant 2 : i32
      %dma_start3A_382 = arith.constant 0 : i32
      %dma_start3A_383 = tpu.memref_slice %arg5[%dma_start3A_381, %dma_start3A_382] : memref<32x49152xf32, #tpu.memory_space<vmem_shared>> -> memref<1x49152xf32, #tpu.memory_space<vmem_shared>>
      %dma_start3A_384 = arith.constant 0 : i32
      %dma_start3A_385 = tpu.memref_slice %arg1[%get3A_380, %dma_start3A_384] : memref<512x49152xf32, #tpu.memory_space<hbm>> -> memref<1x49152xf32, #tpu.memory_space<hbm>>
      tpu.enqueue_dma source(%dma_start3A_385 : memref<1x49152xf32, #tpu.memory_space<hbm>>) target(%dma_start3A_383 : memref<1x49152xf32, #tpu.memory_space<vmem_shared>>) target_semaphore(%arg6 : memref<!tpu.dma_semaphore, #tpu.memory_space<semaphore_mem>>)
      %mul3A_386 = arith.constant 8 : i32
      %mul3A_387 = arith.muli %add3A_352, %mul3A_386 : i32
      %add3A_388 = arith.constant 3 : i32
      %add3A_389 = arith.addi %mul3A_387, %add3A_388 : i32
      %get3A_390 = arith.index_cast %add3A_389 : i32 to index
      %get3A_391 = memref.load %arg4[%get3A_390] : memref<512xi32, #tpu.memory_space<smem>>
      %dma_start3A_392 = arith.constant 3 : i32
      %dma_start3A_393 = arith.constant 0 : i32
      %dma_start3A_394 = tpu.memref_slice %arg5[%dma_start3A_392, %dma_start3A_393] : memref<32x49152xf32, #tpu.memory_space<vmem_shared>> -> memref<1x49152xf32, #tpu.memory_space<vmem_shared>>
      %dma_start3A_395 = arith.constant 0 : i32
      %dma_start3A_396 = tpu.memref_slice %arg1[%get3A_391, %dma_start3A_395] : memref<512x49152xf32, #tpu.memory_space<hbm>> -> memref<1x49152xf32, #tpu.memory_space<hbm>>
      tpu.enqueue_dma source(%dma_start3A_396 : memref<1x49152xf32, #tpu.memory_space<hbm>>) target(%dma_start3A_394 : memref<1x49152xf32, #tpu.memory_space<vmem_shared>>) target_semaphore(%arg6 : memref<!tpu.dma_semaphore, #tpu.memory_space<semaphore_mem>>)
      %mul3A_397 = arith.constant 8 : i32
      %mul3A_398 = arith.muli %add3A_352, %mul3A_397 : i32
      %add3A_399 = arith.constant 4 : i32
      %add3A_400 = arith.addi %mul3A_398, %add3A_399 : i32
      %get3A_401 = arith.index_cast %add3A_400 : i32 to index
      %get3A_402 = memref.load %arg4[%get3A_401] : memref<512xi32, #tpu.memory_space<smem>>
      %dma_start3A_403 = arith.constant 4 : i32
      %dma_start3A_404 = arith.constant 0 : i32
      %dma_start3A_405 = tpu.memref_slice %arg5[%dma_start3A_403, %dma_start3A_404] : memref<32x49152xf32, #tpu.memory_space<vmem_shared>> -> memref<1x49152xf32, #tpu.memory_space<vmem_shared>>
      %dma_start3A_406 = arith.constant 0 : i32
      %dma_start3A_407 = tpu.memref_slice %arg1[%get3A_402, %dma_start3A_406] : memref<512x49152xf32, #tpu.memory_space<hbm>> -> memref<1x49152xf32, #tpu.memory_space<hbm>>
      tpu.enqueue_dma source(%dma_start3A_407 : memref<1x49152xf32, #tpu.memory_space<hbm>>) target(%dma_start3A_405 : memref<1x49152xf32, #tpu.memory_space<vmem_shared>>) target_semaphore(%arg6 : memref<!tpu.dma_semaphore, #tpu.memory_space<semaphore_mem>>)
      %mul3A_408 = arith.constant 8 : i32
      %mul3A_409 = arith.muli %add3A_352, %mul3A_408 : i32
      %add3A_410 = arith.constant 5 : i32
      %add3A_411 = arith.addi %mul3A_409, %add3A_410 : i32
      %get3A_412 = arith.index_cast %add3A_411 : i32 to index
      %get3A_413 = memref.load %arg4[%get3A_412] : memref<512xi32, #tpu.memory_space<smem>>
      %dma_start3A_414 = arith.constant 5 : i32
      %dma_start3A_415 = arith.constant 0 : i32
      %dma_start3A_416 = tpu.memref_slice %arg5[%dma_start3A_414, %dma_start3A_415] : memref<32x49152xf32, #tpu.memory_space<vmem_shared>> -> memref<1x49152xf32, #tpu.memory_space<vmem_shared>>
      %dma_start3A_417 = arith.constant 0 : i32
      %dma_start3A_418 = tpu.memref_slice %arg1[%get3A_413, %dma_start3A_417] : memref<512x49152xf32, #tpu.memory_space<hbm>> -> memref<1x49152xf32, #tpu.memory_space<hbm>>
      tpu.enqueue_dma source(%dma_start3A_418 : memref<1x49152xf32, #tpu.memory_space<hbm>>) target(%dma_start3A_416 : memref<1x49152xf32, #tpu.memory_space<vmem_shared>>) target_semaphore(%arg6 : memref<!tpu.dma_semaphore, #tpu.memory_space<semaphore_mem>>)
      %mul3A_419 = arith.constant 8 : i32
      %mul3A_420 = arith.muli %add3A_352, %mul3A_419 : i32
      %add3A_421 = arith.constant 6 : i32
      %add3A_422 = arith.addi %mul3A_420, %add3A_421 : i32
      %get3A_423 = arith.index_cast %add3A_422 : i32 to index
      %get3A_424 = memref.load %arg4[%get3A_423] : memref<512xi32, #tpu.memory_space<smem>>
      %dma_start3A_425 = arith.constant 6 : i32
      %dma_start3A_426 = arith.constant 0 : i32
      %dma_start3A_427 = tpu.memref_slice %arg5[%dma_start3A_425, %dma_start3A_426] : memref<32x49152xf32, #tpu.memory_space<vmem_shared>> -> memref<1x49152xf32, #tpu.memory_space<vmem_shared>>
      %dma_start3A_428 = arith.constant 0 : i32
      %dma_start3A_429 = tpu.memref_slice %arg1[%get3A_424, %dma_start3A_428] : memref<512x49152xf32, #tpu.memory_space<hbm>> -> memref<1x49152xf32, #tpu.memory_space<hbm>>
      tpu.enqueue_dma source(%dma_start3A_429 : memref<1x49152xf32, #tpu.memory_space<hbm>>) target(%dma_start3A_427 : memref<1x49152xf32, #tpu.memory_space<vmem_shared>>) target_semaphore(%arg6 : memref<!tpu.dma_semaphore, #tpu.memory_space<semaphore_mem>>)
      %mul3A_430 = arith.constant 8 : i32
      %mul3A_431 = arith.muli %add3A_352, %mul3A_430 : i32
      %add3A_432 = arith.constant 7 : i32
      %add3A_433 = arith.addi %mul3A_431, %add3A_432 : i32
      %get3A_434 = arith.index_cast %add3A_433 : i32 to index
      %get3A_435 = memref.load %arg4[%get3A_434] : memref<512xi32, #tpu.memory_space<smem>>
      %dma_start3A_436 = arith.constant 7 : i32
      %dma_start3A_437 = arith.constant 0 : i32
      %dma_start3A_438 = tpu.memref_slice %arg5[%dma_start3A_436, %dma_start3A_437] : memref<32x49152xf32, #tpu.memory_space<vmem_shared>> -> memref<1x49152xf32, #tpu.memory_space<vmem_shared>>
      %dma_start3A_439 = arith.constant 0 : i32
      %dma_start3A_440 = tpu.memref_slice %arg1[%get3A_435, %dma_start3A_439] : memref<512x49152xf32, #tpu.memory_space<hbm>> -> memref<1x49152xf32, #tpu.memory_space<hbm>>
      tpu.enqueue_dma source(%dma_start3A_440 : memref<1x49152xf32, #tpu.memory_space<hbm>>) target(%dma_start3A_438 : memref<1x49152xf32, #tpu.memory_space<vmem_shared>>) target_semaphore(%arg6 : memref<!tpu.dma_semaphore, #tpu.memory_space<semaphore_mem>>)
      %add3A_441 = arith.constant 0 : i32
      %add3A_442 = arith.addi %mul3A_0, %add3A_441 : i32
      %dma_wait3A_443 = arith.constant 0 : i32
      %dma_wait3A_444 = tpu.memref_slice %arg3[%add3A_442, %dma_wait3A_443] : memref<1024x49152xf32, #tpu.memory_space<hbm>> -> memref<8x49152xf32, #tpu.memory_space<hbm>>
      %dma_wait3A_445 = arith.constant 8 : i32
      %dma_wait3A_446 = arith.constant 0 : i32
      %dma_wait3A_447 = tpu.memref_slice %arg5[%dma_wait3A_445, %dma_wait3A_446] : memref<32x49152xf32, #tpu.memory_space<vmem_shared>> -> memref<8x49152xf32, #tpu.memory_space<vmem_shared>>
      tpu.wait_dma2 semaphore(%arg11 : memref<!tpu.dma_semaphore, #tpu.memory_space<semaphore_mem>>) src(%dma_wait3A_447 : memref<8x49152xf32, #tpu.memory_space<vmem_shared>>) dst(%dma_wait3A_444 : memref<8x49152xf32, #tpu.memory_space<hbm>>)
      %add3A_448 = arith.constant 1 : i32
      %add3A_449 = arith.addi %mul3A_343, %add3A_448 : i32
      %mul3A_450 = arith.constant 8 : i32
      %mul3A_451 = arith.muli %add3A_449, %mul3A_450 : i32
      %add3A_452 = arith.constant 0 : i32
      %add3A_453 = arith.addi %mul3A_451, %add3A_452 : i32
      %get3A_454 = arith.index_cast %add3A_453 : i32 to index
      %get3A_455 = memref.load %arg4[%get3A_454] : memref<512xi32, #tpu.memory_space<smem>>
      %dma_start3A_456 = arith.constant 8 : i32
      %dma_start3A_457 = arith.constant 0 : i32
      %dma_start3A_458 = tpu.memref_slice %arg5[%dma_start3A_456, %dma_start3A_457] : memref<32x49152xf32, #tpu.memory_space<vmem_shared>> -> memref<1x49152xf32, #tpu.memory_space<vmem_shared>>
      %dma_start3A_459 = arith.constant 0 : i32
      %dma_start3A_460 = tpu.memref_slice %arg1[%get3A_455, %dma_start3A_459] : memref<512x49152xf32, #tpu.memory_space<hbm>> -> memref<1x49152xf32, #tpu.memory_space<hbm>>
      tpu.enqueue_dma source(%dma_start3A_460 : memref<1x49152xf32, #tpu.memory_space<hbm>>) target(%dma_start3A_458 : memref<1x49152xf32, #tpu.memory_space<vmem_shared>>) target_semaphore(%arg7 : memref<!tpu.dma_semaphore, #tpu.memory_space<semaphore_mem>>)
      %mul3A_461 = arith.constant 8 : i32
      %mul3A_462 = arith.muli %add3A_449, %mul3A_461 : i32
      %add3A_463 = arith.constant 1 : i32
      %add3A_464 = arith.addi %mul3A_462, %add3A_463 : i32
      %get3A_465 = arith.index_cast %add3A_464 : i32 to index
      %get3A_466 = memref.load %arg4[%get3A_465] : memref<512xi32, #tpu.memory_space<smem>>
      %dma_start3A_467 = arith.constant 9 : i32
      %dma_start3A_468 = arith.constant 0 : i32
      %dma_start3A_469 = tpu.memref_slice %arg5[%dma_start3A_467, %dma_start3A_468] : memref<32x49152xf32, #tpu.memory_space<vmem_shared>> -> memref<1x49152xf32, #tpu.memory_space<vmem_shared>>
      %dma_start3A_470 = arith.constant 0 : i32
      %dma_start3A_471 = tpu.memref_slice %arg1[%get3A_466, %dma_start3A_470] : memref<512x49152xf32, #tpu.memory_space<hbm>> -> memref<1x49152xf32, #tpu.memory_space<hbm>>
      tpu.enqueue_dma source(%dma_start3A_471 : memref<1x49152xf32, #tpu.memory_space<hbm>>) target(%dma_start3A_469 : memref<1x49152xf32, #tpu.memory_space<vmem_shared>>) target_semaphore(%arg7 : memref<!tpu.dma_semaphore, #tpu.memory_space<semaphore_mem>>)
      %mul3A_472 = arith.constant 8 : i32
      %mul3A_473 = arith.muli %add3A_449, %mul3A_472 : i32
      %add3A_474 = arith.constant 2 : i32
      %add3A_475 = arith.addi %mul3A_473, %add3A_474 : i32
      %get3A_476 = arith.index_cast %add3A_475 : i32 to index
      %get3A_477 = memref.load %arg4[%get3A_476] : memref<512xi32, #tpu.memory_space<smem>>
      %dma_start3A_478 = arith.constant 10 : i32
      %dma_start3A_479 = arith.constant 0 : i32
      %dma_start3A_480 = tpu.memref_slice %arg5[%dma_start3A_478, %dma_start3A_479] : memref<32x49152xf32, #tpu.memory_space<vmem_shared>> -> memref<1x49152xf32, #tpu.memory_space<vmem_shared>>
      %dma_start3A_481 = arith.constant 0 : i32
      %dma_start3A_482 = tpu.memref_slice %arg1[%get3A_477, %dma_start3A_481] : memref<512x49152xf32, #tpu.memory_space<hbm>> -> memref<1x49152xf32, #tpu.memory_space<hbm>>
      tpu.enqueue_dma source(%dma_start3A_482 : memref<1x49152xf32, #tpu.memory_space<hbm>>) target(%dma_start3A_480 : memref<1x49152xf32, #tpu.memory_space<vmem_shared>>) target_semaphore(%arg7 : memref<!tpu.dma_semaphore, #tpu.memory_space<semaphore_mem>>)
      %mul3A_483 = arith.constant 8 : i32
      %mul3A_484 = arith.muli %add3A_449, %mul3A_483 : i32
      %add3A_485 = arith.constant 3 : i32
      %add3A_486 = arith.addi %mul3A_484, %add3A_485 : i32
      %get3A_487 = arith.index_cast %add3A_486 : i32 to index
      %get3A_488 = memref.load %arg4[%get3A_487] : memref<512xi32, #tpu.memory_space<smem>>
      %dma_start3A_489 = arith.constant 11 : i32
      %dma_start3A_490 = arith.constant 0 : i32
      %dma_start3A_491 = tpu.memref_slice %arg5[%dma_start3A_489, %dma_start3A_490] : memref<32x49152xf32, #tpu.memory_space<vmem_shared>> -> memref<1x49152xf32, #tpu.memory_space<vmem_shared>>
      %dma_start3A_492 = arith.constant 0 : i32
      %dma_start3A_493 = tpu.memref_slice %arg1[%get3A_488, %dma_start3A_492] : memref<512x49152xf32, #tpu.memory_space<hbm>> -> memref<1x49152xf32, #tpu.memory_space<hbm>>
      tpu.enqueue_dma source(%dma_start3A_493 : memref<1x49152xf32, #tpu.memory_space<hbm>>) target(%dma_start3A_491 : memref<1x49152xf32, #tpu.memory_space<vmem_shared>>) target_semaphore(%arg7 : memref<!tpu.dma_semaphore, #tpu.memory_space<semaphore_mem>>)
      %mul3A_494 = arith.constant 8 : i32
      %mul3A_495 = arith.muli %add3A_449, %mul3A_494 : i32
      %add3A_496 = arith.constant 4 : i32
      %add3A_497 = arith.addi %mul3A_495, %add3A_496 : i32
      %get3A_498 = arith.index_cast %add3A_497 : i32 to index
      %get3A_499 = memref.load %arg4[%get3A_498] : memref<512xi32, #tpu.memory_space<smem>>
      %dma_start3A_500 = arith.constant 12 : i32
      %dma_start3A_501 = arith.constant 0 : i32
      %dma_start3A_502 = tpu.memref_slice %arg5[%dma_start3A_500, %dma_start3A_501] : memref<32x49152xf32, #tpu.memory_space<vmem_shared>> -> memref<1x49152xf32, #tpu.memory_space<vmem_shared>>
      %dma_start3A_503 = arith.constant 0 : i32
      %dma_start3A_504 = tpu.memref_slice %arg1[%get3A_499, %dma_start3A_503] : memref<512x49152xf32, #tpu.memory_space<hbm>> -> memref<1x49152xf32, #tpu.memory_space<hbm>>
      tpu.enqueue_dma source(%dma_start3A_504 : memref<1x49152xf32, #tpu.memory_space<hbm>>) target(%dma_start3A_502 : memref<1x49152xf32, #tpu.memory_space<vmem_shared>>) target_semaphore(%arg7 : memref<!tpu.dma_semaphore, #tpu.memory_space<semaphore_mem>>)
      %mul3A_505 = arith.constant 8 : i32
      %mul3A_506 = arith.muli %add3A_449, %mul3A_505 : i32
      %add3A_507 = arith.constant 5 : i32
      %add3A_508 = arith.addi %mul3A_506, %add3A_507 : i32
      %get3A_509 = arith.index_cast %add3A_508 : i32 to index
      %get3A_510 = memref.load %arg4[%get3A_509] : memref<512xi32, #tpu.memory_space<smem>>
      %dma_start3A_511 = arith.constant 13 : i32
      %dma_start3A_512 = arith.constant 0 : i32
      %dma_start3A_513 = tpu.memref_slice %arg5[%dma_start3A_511, %dma_start3A_512] : memref<32x49152xf32, #tpu.memory_space<vmem_shared>> -> memref<1x49152xf32, #tpu.memory_space<vmem_shared>>
      %dma_start3A_514 = arith.constant 0 : i32
      %dma_start3A_515 = tpu.memref_slice %arg1[%get3A_510, %dma_start3A_514] : memref<512x49152xf32, #tpu.memory_space<hbm>> -> memref<1x49152xf32, #tpu.memory_space<hbm>>
      tpu.enqueue_dma source(%dma_start3A_515 : memref<1x49152xf32, #tpu.memory_space<hbm>>) target(%dma_start3A_513 : memref<1x49152xf32, #tpu.memory_space<vmem_shared>>) target_semaphore(%arg7 : memref<!tpu.dma_semaphore, #tpu.memory_space<semaphore_mem>>)
      %mul3A_516 = arith.constant 8 : i32
      %mul3A_517 = arith.muli %add3A_449, %mul3A_516 : i32
      %add3A_518 = arith.constant 6 : i32
      %add3A_519 = arith.addi %mul3A_517, %add3A_518 : i32
      %get3A_520 = arith.index_cast %add3A_519 : i32 to index
      %get3A_521 = memref.load %arg4[%get3A_520] : memref<512xi32, #tpu.memory_space<smem>>
      %dma_start3A_522 = arith.constant 14 : i32
      %dma_start3A_523 = arith.constant 0 : i32
      %dma_start3A_524 = tpu.memref_slice %arg5[%dma_start3A_522, %dma_start3A_523] : memref<32x49152xf32, #tpu.memory_space<vmem_shared>> -> memref<1x49152xf32, #tpu.memory_space<vmem_shared>>
      %dma_start3A_525 = arith.constant 0 : i32
      %dma_start3A_526 = tpu.memref_slice %arg1[%get3A_521, %dma_start3A_525] : memref<512x49152xf32, #tpu.memory_space<hbm>> -> memref<1x49152xf32, #tpu.memory_space<hbm>>
      tpu.enqueue_dma source(%dma_start3A_526 : memref<1x49152xf32, #tpu.memory_space<hbm>>) target(%dma_start3A_524 : memref<1x49152xf32, #tpu.memory_space<vmem_shared>>) target_semaphore(%arg7 : memref<!tpu.dma_semaphore, #tpu.memory_space<semaphore_mem>>)
      %mul3A_527 = arith.constant 8 : i32
      %mul3A_528 = arith.muli %add3A_449, %mul3A_527 : i32
      %add3A_529 = arith.constant 7 : i32
      %add3A_530 = arith.addi %mul3A_528, %add3A_529 : i32
      %get3A_531 = arith.index_cast %add3A_530 : i32 to index
      %get3A_532 = memref.load %arg4[%get3A_531] : memref<512xi32, #tpu.memory_space<smem>>
      %dma_start3A_533 = arith.constant 15 : i32
      %dma_start3A_534 = arith.constant 0 : i32
      %dma_start3A_535 = tpu.memref_slice %arg5[%dma_start3A_533, %dma_start3A_534] : memref<32x49152xf32, #tpu.memory_space<vmem_shared>> -> memref<1x49152xf32, #tpu.memory_space<vmem_shared>>
      %dma_start3A_536 = arith.constant 0 : i32
      %dma_start3A_537 = tpu.memref_slice %arg1[%get3A_532, %dma_start3A_536] : memref<512x49152xf32, #tpu.memory_space<hbm>> -> memref<1x49152xf32, #tpu.memory_space<hbm>>
      tpu.enqueue_dma source(%dma_start3A_537 : memref<1x49152xf32, #tpu.memory_space<hbm>>) target(%dma_start3A_535 : memref<1x49152xf32, #tpu.memory_space<vmem_shared>>) target_semaphore(%arg7 : memref<!tpu.dma_semaphore, #tpu.memory_space<semaphore_mem>>)
      %add3A_538 = arith.constant 0 : i32
      %add3A_539 = arith.addi %mul3A_0, %add3A_538 : i32
      %dma_wait3A_540 = arith.constant 0 : i32
      %dma_wait3A_541 = tpu.memref_slice %arg3[%add3A_539, %dma_wait3A_540] : memref<1024x49152xf32, #tpu.memory_space<hbm>> -> memref<8x49152xf32, #tpu.memory_space<hbm>>
      %dma_wait3A_542 = arith.constant 16 : i32
      %dma_wait3A_543 = arith.constant 0 : i32
      %dma_wait3A_544 = tpu.memref_slice %arg5[%dma_wait3A_542, %dma_wait3A_543] : memref<32x49152xf32, #tpu.memory_space<vmem_shared>> -> memref<8x49152xf32, #tpu.memory_space<vmem_shared>>
      tpu.wait_dma2 semaphore(%arg12 : memref<!tpu.dma_semaphore, #tpu.memory_space<semaphore_mem>>) src(%dma_wait3A_544 : memref<8x49152xf32, #tpu.memory_space<vmem_shared>>) dst(%dma_wait3A_541 : memref<8x49152xf32, #tpu.memory_space<hbm>>)
      %add3A_545 = arith.constant 2 : i32
      %add3A_546 = arith.addi %mul3A_343, %add3A_545 : i32
      %mul3A_547 = arith.constant 8 : i32
      %mul3A_548 = arith.muli %add3A_546, %mul3A_547 : i32
      %add3A_549 = arith.constant 0 : i32
      %add3A_550 = arith.addi %mul3A_548, %add3A_549 : i32
      %get3A_551 = arith.index_cast %add3A_550 : i32 to index
      %get3A_552 = memref.load %arg4[%get3A_551] : memref<512xi32, #tpu.memory_space<smem>>
      %dma_start3A_553 = arith.constant 16 : i32
      %dma_start3A_554 = arith.constant 0 : i32
      %dma_start3A_555 = tpu.memref_slice %arg5[%dma_start3A_553, %dma_start3A_554] : memref<32x49152xf32, #tpu.memory_space<vmem_shared>> -> memref<1x49152xf32, #tpu.memory_space<vmem_shared>>
      %dma_start3A_556 = arith.constant 0 : i32
      %dma_start3A_557 = tpu.memref_slice %arg1[%get3A_552, %dma_start3A_556] : memref<512x49152xf32, #tpu.memory_space<hbm>> -> memref<1x49152xf32, #tpu.memory_space<hbm>>
      tpu.enqueue_dma source(%dma_start3A_557 : memref<1x49152xf32, #tpu.memory_space<hbm>>) target(%dma_start3A_555 : memref<1x49152xf32, #tpu.memory_space<vmem_shared>>) target_semaphore(%arg8 : memref<!tpu.dma_semaphore, #tpu.memory_space<semaphore_mem>>)
      %mul3A_558 = arith.constant 8 : i32
      %mul3A_559 = arith.muli %add3A_546, %mul3A_558 : i32
      %add3A_560 = arith.constant 1 : i32
      %add3A_561 = arith.addi %mul3A_559, %add3A_560 : i32
      %get3A_562 = arith.index_cast %add3A_561 : i32 to index
      %get3A_563 = memref.load %arg4[%get3A_562] : memref<512xi32, #tpu.memory_space<smem>>
      %dma_start3A_564 = arith.constant 17 : i32
      %dma_start3A_565 = arith.constant 0 : i32
      %dma_start3A_566 = tpu.memref_slice %arg5[%dma_start3A_564, %dma_start3A_565] : memref<32x49152xf32, #tpu.memory_space<vmem_shared>> -> memref<1x49152xf32, #tpu.memory_space<vmem_shared>>
      %dma_start3A_567 = arith.constant 0 : i32
      %dma_start3A_568 = tpu.memref_slice %arg1[%get3A_563, %dma_start3A_567] : memref<512x49152xf32, #tpu.memory_space<hbm>> -> memref<1x49152xf32, #tpu.memory_space<hbm>>
      tpu.enqueue_dma source(%dma_start3A_568 : memref<1x49152xf32, #tpu.memory_space<hbm>>) target(%dma_start3A_566 : memref<1x49152xf32, #tpu.memory_space<vmem_shared>>) target_semaphore(%arg8 : memref<!tpu.dma_semaphore, #tpu.memory_space<semaphore_mem>>)
      %mul3A_569 = arith.constant 8 : i32
      %mul3A_570 = arith.muli %add3A_546, %mul3A_569 : i32
      %add3A_571 = arith.constant 2 : i32
      %add3A_572 = arith.addi %mul3A_570, %add3A_571 : i32
      %get3A_573 = arith.index_cast %add3A_572 : i32 to index
      %get3A_574 = memref.load %arg4[%get3A_573] : memref<512xi32, #tpu.memory_space<smem>>
      %dma_start3A_575 = arith.constant 18 : i32
      %dma_start3A_576 = arith.constant 0 : i32
      %dma_start3A_577 = tpu.memref_slice %arg5[%dma_start3A_575, %dma_start3A_576] : memref<32x49152xf32, #tpu.memory_space<vmem_shared>> -> memref<1x49152xf32, #tpu.memory_space<vmem_shared>>
      %dma_start3A_578 = arith.constant 0 : i32
      %dma_start3A_579 = tpu.memref_slice %arg1[%get3A_574, %dma_start3A_578] : memref<512x49152xf32, #tpu.memory_space<hbm>> -> memref<1x49152xf32, #tpu.memory_space<hbm>>
      tpu.enqueue_dma source(%dma_start3A_579 : memref<1x49152xf32, #tpu.memory_space<hbm>>) target(%dma_start3A_577 : memref<1x49152xf32, #tpu.memory_space<vmem_shared>>) target_semaphore(%arg8 : memref<!tpu.dma_semaphore, #tpu.memory_space<semaphore_mem>>)
      %mul3A_580 = arith.constant 8 : i32
      %mul3A_581 = arith.muli %add3A_546, %mul3A_580 : i32
      %add3A_582 = arith.constant 3 : i32
      %add3A_583 = arith.addi %mul3A_581, %add3A_582 : i32
      %get3A_584 = arith.index_cast %add3A_583 : i32 to index
      %get3A_585 = memref.load %arg4[%get3A_584] : memref<512xi32, #tpu.memory_space<smem>>
      %dma_start3A_586 = arith.constant 19 : i32
      %dma_start3A_587 = arith.constant 0 : i32
      %dma_start3A_588 = tpu.memref_slice %arg5[%dma_start3A_586, %dma_start3A_587] : memref<32x49152xf32, #tpu.memory_space<vmem_shared>> -> memref<1x49152xf32, #tpu.memory_space<vmem_shared>>
      %dma_start3A_589 = arith.constant 0 : i32
      %dma_start3A_590 = tpu.memref_slice %arg1[%get3A_585, %dma_start3A_589] : memref<512x49152xf32, #tpu.memory_space<hbm>> -> memref<1x49152xf32, #tpu.memory_space<hbm>>
      tpu.enqueue_dma source(%dma_start3A_590 : memref<1x49152xf32, #tpu.memory_space<hbm>>) target(%dma_start3A_588 : memref<1x49152xf32, #tpu.memory_space<vmem_shared>>) target_semaphore(%arg8 : memref<!tpu.dma_semaphore, #tpu.memory_space<semaphore_mem>>)
      %mul3A_591 = arith.constant 8 : i32
      %mul3A_592 = arith.muli %add3A_546, %mul3A_591 : i32
      %add3A_593 = arith.constant 4 : i32
      %add3A_594 = arith.addi %mul3A_592, %add3A_593 : i32
      %get3A_595 = arith.index_cast %add3A_594 : i32 to index
      %get3A_596 = memref.load %arg4[%get3A_595] : memref<512xi32, #tpu.memory_space<smem>>
      %dma_start3A_597 = arith.constant 20 : i32
      %dma_start3A_598 = arith.constant 0 : i32
      %dma_start3A_599 = tpu.memref_slice %arg5[%dma_start3A_597, %dma_start3A_598] : memref<32x49152xf32, #tpu.memory_space<vmem_shared>> -> memref<1x49152xf32, #tpu.memory_space<vmem_shared>>
      %dma_start3A_600 = arith.constant 0 : i32
      %dma_start3A_601 = tpu.memref_slice %arg1[%get3A_596, %dma_start3A_600] : memref<512x49152xf32, #tpu.memory_space<hbm>> -> memref<1x49152xf32, #tpu.memory_space<hbm>>
      tpu.enqueue_dma source(%dma_start3A_601 : memref<1x49152xf32, #tpu.memory_space<hbm>>) target(%dma_start3A_599 : memref<1x49152xf32, #tpu.memory_space<vmem_shared>>) target_semaphore(%arg8 : memref<!tpu.dma_semaphore, #tpu.memory_space<semaphore_mem>>)
      %mul3A_602 = arith.constant 8 : i32
      %mul3A_603 = arith.muli %add3A_546, %mul3A_602 : i32
      %add3A_604 = arith.constant 5 : i32
      %add3A_605 = arith.addi %mul3A_603, %add3A_604 : i32
      %get3A_606 = arith.index_cast %add3A_605 : i32 to index
      %get3A_607 = memref.load %arg4[%get3A_606] : memref<512xi32, #tpu.memory_space<smem>>
      %dma_start3A_608 = arith.constant 21 : i32
      %dma_start3A_609 = arith.constant 0 : i32
      %dma_start3A_610 = tpu.memref_slice %arg5[%dma_start3A_608, %dma_start3A_609] : memref<32x49152xf32, #tpu.memory_space<vmem_shared>> -> memref<1x49152xf32, #tpu.memory_space<vmem_shared>>
      %dma_start3A_611 = arith.constant 0 : i32
      %dma_start3A_612 = tpu.memref_slice %arg1[%get3A_607, %dma_start3A_611] : memref<512x49152xf32, #tpu.memory_space<hbm>> -> memref<1x49152xf32, #tpu.memory_space<hbm>>
      tpu.enqueue_dma source(%dma_start3A_612 : memref<1x49152xf32, #tpu.memory_space<hbm>>) target(%dma_start3A_610 : memref<1x49152xf32, #tpu.memory_space<vmem_shared>>) target_semaphore(%arg8 : memref<!tpu.dma_semaphore, #tpu.memory_space<semaphore_mem>>)
      %mul3A_613 = arith.constant 8 : i32
      %mul3A_614 = arith.muli %add3A_546, %mul3A_613 : i32
      %add3A_615 = arith.constant 6 : i32
      %add3A_616 = arith.addi %mul3A_614, %add3A_615 : i32
      %get3A_617 = arith.index_cast %add3A_616 : i32 to index
      %get3A_618 = memref.load %arg4[%get3A_617] : memref<512xi32, #tpu.memory_space<smem>>
      %dma_start3A_619 = arith.constant 22 : i32
      %dma_start3A_620 = arith.constant 0 : i32
      %dma_start3A_621 = tpu.memref_slice %arg5[%dma_start3A_619, %dma_start3A_620] : memref<32x49152xf32, #tpu.memory_space<vmem_shared>> -> memref<1x49152xf32, #tpu.memory_space<vmem_shared>>
      %dma_start3A_622 = arith.constant 0 : i32
      %dma_start3A_623 = tpu.memref_slice %arg1[%get3A_618, %dma_start3A_622] : memref<512x49152xf32, #tpu.memory_space<hbm>> -> memref<1x49152xf32, #tpu.memory_space<hbm>>
      tpu.enqueue_dma source(%dma_start3A_623 : memref<1x49152xf32, #tpu.memory_space<hbm>>) target(%dma_start3A_621 : memref<1x49152xf32, #tpu.memory_space<vmem_shared>>) target_semaphore(%arg8 : memref<!tpu.dma_semaphore, #tpu.memory_space<semaphore_mem>>)
      %mul3A_624 = arith.constant 8 : i32
      %mul3A_625 = arith.muli %add3A_546, %mul3A_624 : i32
      %add3A_626 = arith.constant 7 : i32
      %add3A_627 = arith.addi %mul3A_625, %add3A_626 : i32
      %get3A_628 = arith.index_cast %add3A_627 : i32 to index
      %get3A_629 = memref.load %arg4[%get3A_628] : memref<512xi32, #tpu.memory_space<smem>>
      %dma_start3A_630 = arith.constant 23 : i32
      %dma_start3A_631 = arith.constant 0 : i32
      %dma_start3A_632 = tpu.memref_slice %arg5[%dma_start3A_630, %dma_start3A_631] : memref<32x49152xf32, #tpu.memory_space<vmem_shared>> -> memref<1x49152xf32, #tpu.memory_space<vmem_shared>>
      %dma_start3A_633 = arith.constant 0 : i32
      %dma_start3A_634 = tpu.memref_slice %arg1[%get3A_629, %dma_start3A_633] : memref<512x49152xf32, #tpu.memory_space<hbm>> -> memref<1x49152xf32, #tpu.memory_space<hbm>>
      tpu.enqueue_dma source(%dma_start3A_634 : memref<1x49152xf32, #tpu.memory_space<hbm>>) target(%dma_start3A_632 : memref<1x49152xf32, #tpu.memory_space<vmem_shared>>) target_semaphore(%arg8 : memref<!tpu.dma_semaphore, #tpu.memory_space<semaphore_mem>>)
      %add3A_635 = arith.constant 0 : i32
      %add3A_636 = arith.addi %mul3A_0, %add3A_635 : i32
      %dma_wait3A_637 = arith.constant 0 : i32
      %dma_wait3A_638 = tpu.memref_slice %arg3[%add3A_636, %dma_wait3A_637] : memref<1024x49152xf32, #tpu.memory_space<hbm>> -> memref<8x49152xf32, #tpu.memory_space<hbm>>
      %dma_wait3A_639 = arith.constant 24 : i32
      %dma_wait3A_640 = arith.constant 0 : i32
      %dma_wait3A_641 = tpu.memref_slice %arg5[%dma_wait3A_639, %dma_wait3A_640] : memref<32x49152xf32, #tpu.memory_space<vmem_shared>> -> memref<8x49152xf32, #tpu.memory_space<vmem_shared>>
      tpu.wait_dma2 semaphore(%arg13 : memref<!tpu.dma_semaphore, #tpu.memory_space<semaphore_mem>>) src(%dma_wait3A_641 : memref<8x49152xf32, #tpu.memory_space<vmem_shared>>) dst(%dma_wait3A_638 : memref<8x49152xf32, #tpu.memory_space<hbm>>)
      %add3A_642 = arith.constant 3 : i32
      %add3A_643 = arith.addi %mul3A_343, %add3A_642 : i32
      %mul3A_644 = arith.constant 8 : i32
      %mul3A_645 = arith.muli %add3A_643, %mul3A_644 : i32
      %add3A_646 = arith.constant 0 : i32
      %add3A_647 = arith.addi %mul3A_645, %add3A_646 : i32
      %get3A_648 = arith.index_cast %add3A_647 : i32 to index
      %get3A_649 = memref.load %arg4[%get3A_648] : memref<512xi32, #tpu.memory_space<smem>>
      %dma_start3A_650 = arith.constant 24 : i32
      %dma_start3A_651 = arith.constant 0 : i32
      %dma_start3A_652 = tpu.memref_slice %arg5[%dma_start3A_650, %dma_start3A_651] : memref<32x49152xf32, #tpu.memory_space<vmem_shared>> -> memref<1x49152xf32, #tpu.memory_space<vmem_shared>>
      %dma_start3A_653 = arith.constant 0 : i32
      %dma_start3A_654 = tpu.memref_slice %arg1[%get3A_649, %dma_start3A_653] : memref<512x49152xf32, #tpu.memory_space<hbm>> -> memref<1x49152xf32, #tpu.memory_space<hbm>>
      tpu.enqueue_dma source(%dma_start3A_654 : memref<1x49152xf32, #tpu.memory_space<hbm>>) target(%dma_start3A_652 : memref<1x49152xf32, #tpu.memory_space<vmem_shared>>) target_semaphore(%arg9 : memref<!tpu.dma_semaphore, #tpu.memory_space<semaphore_mem>>)
      %mul3A_655 = arith.constant 8 : i32
      %mul3A_656 = arith.muli %add3A_643, %mul3A_655 : i32
      %add3A_657 = arith.constant 1 : i32
      %add3A_658 = arith.addi %mul3A_656, %add3A_657 : i32
      %get3A_659 = arith.index_cast %add3A_658 : i32 to index
      %get3A_660 = memref.load %arg4[%get3A_659] : memref<512xi32, #tpu.memory_space<smem>>
      %dma_start3A_661 = arith.constant 25 : i32
      %dma_start3A_662 = arith.constant 0 : i32
      %dma_start3A_663 = tpu.memref_slice %arg5[%dma_start3A_661, %dma_start3A_662] : memref<32x49152xf32, #tpu.memory_space<vmem_shared>> -> memref<1x49152xf32, #tpu.memory_space<vmem_shared>>
      %dma_start3A_664 = arith.constant 0 : i32
      %dma_start3A_665 = tpu.memref_slice %arg1[%get3A_660, %dma_start3A_664] : memref<512x49152xf32, #tpu.memory_space<hbm>> -> memref<1x49152xf32, #tpu.memory_space<hbm>>
      tpu.enqueue_dma source(%dma_start3A_665 : memref<1x49152xf32, #tpu.memory_space<hbm>>) target(%dma_start3A_663 : memref<1x49152xf32, #tpu.memory_space<vmem_shared>>) target_semaphore(%arg9 : memref<!tpu.dma_semaphore, #tpu.memory_space<semaphore_mem>>)
      %mul3A_666 = arith.constant 8 : i32
      %mul3A_667 = arith.muli %add3A_643, %mul3A_666 : i32
      %add3A_668 = arith.constant 2 : i32
      %add3A_669 = arith.addi %mul3A_667, %add3A_668 : i32
      %get3A_670 = arith.index_cast %add3A_669 : i32 to index
      %get3A_671 = memref.load %arg4[%get3A_670] : memref<512xi32, #tpu.memory_space<smem>>
      %dma_start3A_672 = arith.constant 26 : i32
      %dma_start3A_673 = arith.constant 0 : i32
      %dma_start3A_674 = tpu.memref_slice %arg5[%dma_start3A_672, %dma_start3A_673] : memref<32x49152xf32, #tpu.memory_space<vmem_shared>> -> memref<1x49152xf32, #tpu.memory_space<vmem_shared>>
      %dma_start3A_675 = arith.constant 0 : i32
      %dma_start3A_676 = tpu.memref_slice %arg1[%get3A_671, %dma_start3A_675] : memref<512x49152xf32, #tpu.memory_space<hbm>> -> memref<1x49152xf32, #tpu.memory_space<hbm>>
      tpu.enqueue_dma source(%dma_start3A_676 : memref<1x49152xf32, #tpu.memory_space<hbm>>) target(%dma_start3A_674 : memref<1x49152xf32, #tpu.memory_space<vmem_shared>>) target_semaphore(%arg9 : memref<!tpu.dma_semaphore, #tpu.memory_space<semaphore_mem>>)
      %mul3A_677 = arith.constant 8 : i32
      %mul3A_678 = arith.muli %add3A_643, %mul3A_677 : i32
      %add3A_679 = arith.constant 3 : i32
      %add3A_680 = arith.addi %mul3A_678, %add3A_679 : i32
      %get3A_681 = arith.index_cast %add3A_680 : i32 to index
      %get3A_682 = memref.load %arg4[%get3A_681] : memref<512xi32, #tpu.memory_space<smem>>
      %dma_start3A_683 = arith.constant 27 : i32
      %dma_start3A_684 = arith.constant 0 : i32
      %dma_start3A_685 = tpu.memref_slice %arg5[%dma_start3A_683, %dma_start3A_684] : memref<32x49152xf32, #tpu.memory_space<vmem_shared>> -> memref<1x49152xf32, #tpu.memory_space<vmem_shared>>
      %dma_start3A_686 = arith.constant 0 : i32
      %dma_start3A_687 = tpu.memref_slice %arg1[%get3A_682, %dma_start3A_686] : memref<512x49152xf32, #tpu.memory_space<hbm>> -> memref<1x49152xf32, #tpu.memory_space<hbm>>
      tpu.enqueue_dma source(%dma_start3A_687 : memref<1x49152xf32, #tpu.memory_space<hbm>>) target(%dma_start3A_685 : memref<1x49152xf32, #tpu.memory_space<vmem_shared>>) target_semaphore(%arg9 : memref<!tpu.dma_semaphore, #tpu.memory_space<semaphore_mem>>)
      %mul3A_688 = arith.constant 8 : i32
      %mul3A_689 = arith.muli %add3A_643, %mul3A_688 : i32
      %add3A_690 = arith.constant 4 : i32
      %add3A_691 = arith.addi %mul3A_689, %add3A_690 : i32
      %get3A_692 = arith.index_cast %add3A_691 : i32 to index
      %get3A_693 = memref.load %arg4[%get3A_692] : memref<512xi32, #tpu.memory_space<smem>>
      %dma_start3A_694 = arith.constant 28 : i32
      %dma_start3A_695 = arith.constant 0 : i32
      %dma_start3A_696 = tpu.memref_slice %arg5[%dma_start3A_694, %dma_start3A_695] : memref<32x49152xf32, #tpu.memory_space<vmem_shared>> -> memref<1x49152xf32, #tpu.memory_space<vmem_shared>>
      %dma_start3A_697 = arith.constant 0 : i32
      %dma_start3A_698 = tpu.memref_slice %arg1[%get3A_693, %dma_start3A_697] : memref<512x49152xf32, #tpu.memory_space<hbm>> -> memref<1x49152xf32, #tpu.memory_space<hbm>>
      tpu.enqueue_dma source(%dma_start3A_698 : memref<1x49152xf32, #tpu.memory_space<hbm>>) target(%dma_start3A_696 : memref<1x49152xf32, #tpu.memory_space<vmem_shared>>) target_semaphore(%arg9 : memref<!tpu.dma_semaphore, #tpu.memory_space<semaphore_mem>>)
      %mul3A_699 = arith.constant 8 : i32
      %mul3A_700 = arith.muli %add3A_643, %mul3A_699 : i32
      %add3A_701 = arith.constant 5 : i32
      %add3A_702 = arith.addi %mul3A_700, %add3A_701 : i32
      %get3A_703 = arith.index_cast %add3A_702 : i32 to index
      %get3A_704 = memref.load %arg4[%get3A_703] : memref<512xi32, #tpu.memory_space<smem>>
      %dma_start3A_705 = arith.constant 29 : i32
      %dma_start3A_706 = arith.constant 0 : i32
      %dma_start3A_707 = tpu.memref_slice %arg5[%dma_start3A_705, %dma_start3A_706] : memref<32x49152xf32, #tpu.memory_space<vmem_shared>> -> memref<1x49152xf32, #tpu.memory_space<vmem_shared>>
      %dma_start3A_708 = arith.constant 0 : i32
      %dma_start3A_709 = tpu.memref_slice %arg1[%get3A_704, %dma_start3A_708] : memref<512x49152xf32, #tpu.memory_space<hbm>> -> memref<1x49152xf32, #tpu.memory_space<hbm>>
      tpu.enqueue_dma source(%dma_start3A_709 : memref<1x49152xf32, #tpu.memory_space<hbm>>) target(%dma_start3A_707 : memref<1x49152xf32, #tpu.memory_space<vmem_shared>>) target_semaphore(%arg9 : memref<!tpu.dma_semaphore, #tpu.memory_space<semaphore_mem>>)
      %mul3A_710 = arith.constant 8 : i32
      %mul3A_711 = arith.muli %add3A_643, %mul3A_710 : i32
      %add3A_712 = arith.constant 6 : i32
      %add3A_713 = arith.addi %mul3A_711, %add3A_712 : i32
      %get3A_714 = arith.index_cast %add3A_713 : i32 to index
      %get3A_715 = memref.load %arg4[%get3A_714] : memref<512xi32, #tpu.memory_space<smem>>
      %dma_start3A_716 = arith.constant 30 : i32
      %dma_start3A_717 = arith.constant 0 : i32
      %dma_start3A_718 = tpu.memref_slice %arg5[%dma_start3A_716, %dma_start3A_717] : memref<32x49152xf32, #tpu.memory_space<vmem_shared>> -> memref<1x49152xf32, #tpu.memory_space<vmem_shared>>
      %dma_start3A_719 = arith.constant 0 : i32
      %dma_start3A_720 = tpu.memref_slice %arg1[%get3A_715, %dma_start3A_719] : memref<512x49152xf32, #tpu.memory_space<hbm>> -> memref<1x49152xf32, #tpu.memory_space<hbm>>
      tpu.enqueue_dma source(%dma_start3A_720 : memref<1x49152xf32, #tpu.memory_space<hbm>>) target(%dma_start3A_718 : memref<1x49152xf32, #tpu.memory_space<vmem_shared>>) target_semaphore(%arg9 : memref<!tpu.dma_semaphore, #tpu.memory_space<semaphore_mem>>)
      %mul3A_721 = arith.constant 8 : i32
      %mul3A_722 = arith.muli %add3A_643, %mul3A_721 : i32
      %add3A_723 = arith.constant 7 : i32
      %add3A_724 = arith.addi %mul3A_722, %add3A_723 : i32
      %get3A_725 = arith.index_cast %add3A_724 : i32 to index
      %get3A_726 = memref.load %arg4[%get3A_725] : memref<512xi32, #tpu.memory_space<smem>>
      %dma_start3A_727 = arith.constant 31 : i32
      %dma_start3A_728 = arith.constant 0 : i32
      %dma_start3A_729 = tpu.memref_slice %arg5[%dma_start3A_727, %dma_start3A_728] : memref<32x49152xf32, #tpu.memory_space<vmem_shared>> -> memref<1x49152xf32, #tpu.memory_space<vmem_shared>>
      %dma_start3A_730 = arith.constant 0 : i32
      %dma_start3A_731 = tpu.memref_slice %arg1[%get3A_726, %dma_start3A_730] : memref<512x49152xf32, #tpu.memory_space<hbm>> -> memref<1x49152xf32, #tpu.memory_space<hbm>>
      tpu.enqueue_dma source(%dma_start3A_731 : memref<1x49152xf32, #tpu.memory_space<hbm>>) target(%dma_start3A_729 : memref<1x49152xf32, #tpu.memory_space<vmem_shared>>) target_semaphore(%arg9 : memref<!tpu.dma_semaphore, #tpu.memory_space<semaphore_mem>>)
      %dma_wait3A_732 = arith.constant 0 : i32
      %dma_wait3A_733 = arith.constant 0 : i32
      %dma_wait3A_734 = tpu.memref_slice %arg5[%dma_wait3A_732, %dma_wait3A_733] : memref<32x49152xf32, #tpu.memory_space<vmem_shared>> -> memref<8x49152xf32, #tpu.memory_space<vmem_shared>>
      %dma_wait3A_735 = arith.constant 0 : i32
      %dma_wait3A_736 = arith.constant 0 : i32
      %dma_wait3A_737 = tpu.memref_slice %arg1[%dma_wait3A_735, %dma_wait3A_736] : memref<512x49152xf32, #tpu.memory_space<hbm>> -> memref<8x49152xf32, #tpu.memory_space<hbm>>
      tpu.wait_dma2 semaphore(%arg6 : memref<!tpu.dma_semaphore, #tpu.memory_space<semaphore_mem>>) src(%dma_wait3A_737 : memref<8x49152xf32, #tpu.memory_space<hbm>>) dst(%dma_wait3A_734 : memref<8x49152xf32, #tpu.memory_space<vmem_shared>>)
      %add3A_738 = arith.constant 0 : i32
      %add3A_739 = arith.addi %mul3A_343, %add3A_738 : i32
      %mul3A_740 = arith.constant 8 : i32
      %mul3A_741 = arith.muli %add3A_739, %mul3A_740 : i32
      %add3A_742 = arith.addi %mul3A_0, %mul3A_741 : i32
      %dma_start3A_743 = arith.constant 0 : i32
      %dma_start3A_744 = tpu.memref_slice %arg3[%add3A_742, %dma_start3A_743] : memref<1024x49152xf32, #tpu.memory_space<hbm>> -> memref<8x49152xf32, #tpu.memory_space<hbm>>
      %dma_start3A_745 = arith.constant 0 : i32
      %dma_start3A_746 = arith.constant 0 : i32
      %dma_start3A_747 = tpu.memref_slice %arg5[%dma_start3A_745, %dma_start3A_746] : memref<32x49152xf32, #tpu.memory_space<vmem_shared>> -> memref<8x49152xf32, #tpu.memory_space<vmem_shared>>
      tpu.enqueue_dma source(%dma_start3A_747 : memref<8x49152xf32, #tpu.memory_space<vmem_shared>>) target(%dma_start3A_744 : memref<8x49152xf32, #tpu.memory_space<hbm>>) target_semaphore(%arg10 : memref<!tpu.dma_semaphore, #tpu.memory_space<semaphore_mem>>)
      %dma_wait3A_748 = arith.constant 8 : i32
      %dma_wait3A_749 = arith.constant 0 : i32
      %dma_wait3A_750 = tpu.memref_slice %arg5[%dma_wait3A_748, %dma_wait3A_749] : memref<32x49152xf32, #tpu.memory_space<vmem_shared>> -> memref<8x49152xf32, #tpu.memory_space<vmem_shared>>
      %dma_wait3A_751 = arith.constant 0 : i32
      %dma_wait3A_752 = arith.constant 0 : i32
      %dma_wait3A_753 = tpu.memref_slice %arg1[%dma_wait3A_751, %dma_wait3A_752] : memref<512x49152xf32, #tpu.memory_space<hbm>> -> memref<8x49152xf32, #tpu.memory_space<hbm>>
      tpu.wait_dma2 semaphore(%arg7 : memref<!tpu.dma_semaphore, #tpu.memory_space<semaphore_mem>>) src(%dma_wait3A_753 : memref<8x49152xf32, #tpu.memory_space<hbm>>) dst(%dma_wait3A_750 : memref<8x49152xf32, #tpu.memory_space<vmem_shared>>)
      %add3A_754 = arith.constant 1 : i32
      %add3A_755 = arith.addi %mul3A_343, %add3A_754 : i32
      %mul3A_756 = arith.constant 8 : i32
      %mul3A_757 = arith.muli %add3A_755, %mul3A_756 : i32
      %add3A_758 = arith.addi %mul3A_0, %mul3A_757 : i32
      %dma_start3A_759 = arith.constant 0 : i32
      %dma_start3A_760 = tpu.memref_slice %arg3[%add3A_758, %dma_start3A_759] : memref<1024x49152xf32, #tpu.memory_space<hbm>> -> memref<8x49152xf32, #tpu.memory_space<hbm>>
      %dma_start3A_761 = arith.constant 8 : i32
      %dma_start3A_762 = arith.constant 0 : i32
      %dma_start3A_763 = tpu.memref_slice %arg5[%dma_start3A_761, %dma_start3A_762] : memref<32x49152xf32, #tpu.memory_space<vmem_shared>> -> memref<8x49152xf32, #tpu.memory_space<vmem_shared>>
      tpu.enqueue_dma source(%dma_start3A_763 : memref<8x49152xf32, #tpu.memory_space<vmem_shared>>) target(%dma_start3A_760 : memref<8x49152xf32, #tpu.memory_space<hbm>>) target_semaphore(%arg11 : memref<!tpu.dma_semaphore, #tpu.memory_space<semaphore_mem>>)
      %dma_wait3A_764 = arith.constant 16 : i32
      %dma_wait3A_765 = arith.constant 0 : i32
      %dma_wait3A_766 = tpu.memref_slice %arg5[%dma_wait3A_764, %dma_wait3A_765] : memref<32x49152xf32, #tpu.memory_space<vmem_shared>> -> memref<8x49152xf32, #tpu.memory_space<vmem_shared>>
      %dma_wait3A_767 = arith.constant 0 : i32
      %dma_wait3A_768 = arith.constant 0 : i32
      %dma_wait3A_769 = tpu.memref_slice %arg1[%dma_wait3A_767, %dma_wait3A_768] : memref<512x49152xf32, #tpu.memory_space<hbm>> -> memref<8x49152xf32, #tpu.memory_space<hbm>>
      tpu.wait_dma2 semaphore(%arg8 : memref<!tpu.dma_semaphore, #tpu.memory_space<semaphore_mem>>) src(%dma_wait3A_769 : memref<8x49152xf32, #tpu.memory_space<hbm>>) dst(%dma_wait3A_766 : memref<8x49152xf32, #tpu.memory_space<vmem_shared>>)
      %add3A_770 = arith.constant 2 : i32
      %add3A_771 = arith.addi %mul3A_343, %add3A_770 : i32
      %mul3A_772 = arith.constant 8 : i32
      %mul3A_773 = arith.muli %add3A_771, %mul3A_772 : i32
      %add3A_774 = arith.addi %mul3A_0, %mul3A_773 : i32
      %dma_start3A_775 = arith.constant 0 : i32
      %dma_start3A_776 = tpu.memref_slice %arg3[%add3A_774, %dma_start3A_775] : memref<1024x49152xf32, #tpu.memory_space<hbm>> -> memref<8x49152xf32, #tpu.memory_space<hbm>>
      %dma_start3A_777 = arith.constant 16 : i32
      %dma_start3A_778 = arith.constant 0 : i32
      %dma_start3A_779 = tpu.memref_slice %arg5[%dma_start3A_777, %dma_start3A_778] : memref<32x49152xf32, #tpu.memory_space<vmem_shared>> -> memref<8x49152xf32, #tpu.memory_space<vmem_shared>>
      tpu.enqueue_dma source(%dma_start3A_779 : memref<8x49152xf32, #tpu.memory_space<vmem_shared>>) target(%dma_start3A_776 : memref<8x49152xf32, #tpu.memory_space<hbm>>) target_semaphore(%arg12 : memref<!tpu.dma_semaphore, #tpu.memory_space<semaphore_mem>>)
      %dma_wait3A_780 = arith.constant 24 : i32
      %dma_wait3A_781 = arith.constant 0 : i32
      %dma_wait3A_782 = tpu.memref_slice %arg5[%dma_wait3A_780, %dma_wait3A_781] : memref<32x49152xf32, #tpu.memory_space<vmem_shared>> -> memref<8x49152xf32, #tpu.memory_space<vmem_shared>>
      %dma_wait3A_783 = arith.constant 0 : i32
      %dma_wait3A_784 = arith.constant 0 : i32
      %dma_wait3A_785 = tpu.memref_slice %arg1[%dma_wait3A_783, %dma_wait3A_784] : memref<512x49152xf32, #tpu.memory_space<hbm>> -> memref<8x49152xf32, #tpu.memory_space<hbm>>
      tpu.wait_dma2 semaphore(%arg9 : memref<!tpu.dma_semaphore, #tpu.memory_space<semaphore_mem>>) src(%dma_wait3A_785 : memref<8x49152xf32, #tpu.memory_space<hbm>>) dst(%dma_wait3A_782 : memref<8x49152xf32, #tpu.memory_space<vmem_shared>>)
      %add3A_786 = arith.constant 3 : i32
      %add3A_787 = arith.addi %mul3A_343, %add3A_786 : i32
      %mul3A_788 = arith.constant 8 : i32
      %mul3A_789 = arith.muli %add3A_787, %mul3A_788 : i32
      %add3A_790 = arith.addi %mul3A_0, %mul3A_789 : i32
      %dma_start3A_791 = arith.constant 0 : i32
      %dma_start3A_792 = tpu.memref_slice %arg3[%add3A_790, %dma_start3A_791] : memref<1024x49152xf32, #tpu.memory_space<hbm>> -> memref<8x49152xf32, #tpu.memory_space<hbm>>
      %dma_start3A_793 = arith.constant 24 : i32
      %dma_start3A_794 = arith.constant 0 : i32
      %dma_start3A_795 = tpu.memref_slice %arg5[%dma_start3A_793, %dma_start3A_794] : memref<32x49152xf32, #tpu.memory_space<vmem_shared>> -> memref<8x49152xf32, #tpu.memory_space<vmem_shared>>
      tpu.enqueue_dma source(%dma_start3A_795 : memref<8x49152xf32, #tpu.memory_space<vmem_shared>>) target(%dma_start3A_792 : memref<8x49152xf32, #tpu.memory_space<hbm>>) target_semaphore(%arg13 : memref<!tpu.dma_semaphore, #tpu.memory_space<semaphore_mem>>)
    }
    %scan3A_308 = arith.constant 15 : i32
    %add3A_309 = arith.constant 0 : i32
    %add3A_310 = arith.addi %mul3A_0, %add3A_309 : i32
    %dma_wait3A_311 = arith.constant 0 : i32
    %dma_wait3A_312 = tpu.memref_slice %arg3[%add3A_310, %dma_wait3A_311] : memref<1024x49152xf32, #tpu.memory_space<hbm>> -> memref<8x49152xf32, #tpu.memory_space<hbm>>
    %dma_wait3A_313 = arith.constant 0 : i32
    %dma_wait3A_314 = arith.constant 0 : i32
    %dma_wait3A_315 = tpu.memref_slice %arg5[%dma_wait3A_313, %dma_wait3A_314] : memref<32x49152xf32, #tpu.memory_space<vmem_shared>> -> memref<8x49152xf32, #tpu.memory_space<vmem_shared>>
    tpu.wait_dma2 semaphore(%arg10 : memref<!tpu.dma_semaphore, #tpu.memory_space<semaphore_mem>>) src(%dma_wait3A_315 : memref<8x49152xf32, #tpu.memory_space<vmem_shared>>) dst(%dma_wait3A_312 : memref<8x49152xf32, #tpu.memory_space<hbm>>)
    %add3A_316 = arith.constant 0 : i32
    %add3A_317 = arith.addi %mul3A_0, %add3A_316 : i32
    %dma_wait3A_318 = arith.constant 0 : i32
    %dma_wait3A_319 = tpu.memref_slice %arg3[%add3A_317, %dma_wait3A_318] : memref<1024x49152xf32, #tpu.memory_space<hbm>> -> memref<8x49152xf32, #tpu.memory_space<hbm>>
    %dma_wait3A_320 = arith.constant 8 : i32
    %dma_wait3A_321 = arith.constant 0 : i32
    %dma_wait3A_322 = tpu.memref_slice %arg5[%dma_wait3A_320, %dma_wait3A_321] : memref<32x49152xf32, #tpu.memory_space<vmem_shared>> -> memref<8x49152xf32, #tpu.memory_space<vmem_shared>>
    tpu.wait_dma2 semaphore(%arg11 : memref<!tpu.dma_semaphore, #tpu.memory_space<semaphore_mem>>) src(%dma_wait3A_322 : memref<8x49152xf32, #tpu.memory_space<vmem_shared>>) dst(%dma_wait3A_319 : memref<8x49152xf32, #tpu.memory_space<hbm>>)
    %add3A_323 = arith.constant 0 : i32
    %add3A_324 = arith.addi %mul3A_0, %add3A_323 : i32
    %dma_wait3A_325 = arith.constant 0 : i32
    %dma_wait3A_326 = tpu.memref_slice %arg3[%add3A_324, %dma_wait3A_325] : memref<1024x49152xf32, #tpu.memory_space<hbm>> -> memref<8x49152xf32, #tpu.memory_space<hbm>>
    %dma_wait3A_327 = arith.constant 16 : i32
    %dma_wait3A_328 = arith.constant 0 : i32
    %dma_wait3A_329 = tpu.memref_slice %arg5[%dma_wait3A_327, %dma_wait3A_328] : memref<32x49152xf32, #tpu.memory_space<vmem_shared>> -> memref<8x49152xf32, #tpu.memory_space<vmem_shared>>
    tpu.wait_dma2 semaphore(%arg12 : memref<!tpu.dma_semaphore, #tpu.memory_space<semaphore_mem>>) src(%dma_wait3A_329 : memref<8x49152xf32, #tpu.memory_space<vmem_shared>>) dst(%dma_wait3A_326 : memref<8x49152xf32, #tpu.memory_space<hbm>>)
    %add3A_330 = arith.constant 0 : i32
    %add3A_331 = arith.addi %mul3A_0, %add3A_330 : i32
    %dma_wait3A_332 = arith.constant 0 : i32
    %dma_wait3A_333 = tpu.memref_slice %arg3[%add3A_331, %dma_wait3A_332] : memref<1024x49152xf32, #tpu.memory_space<hbm>> -> memref<8x49152xf32, #tpu.memory_space<hbm>>
    %dma_wait3A_334 = arith.constant 24 : i32
    %dma_wait3A_335 = arith.constant 0 : i32
    %dma_wait3A_336 = tpu.memref_slice %arg5[%dma_wait3A_334, %dma_wait3A_335] : memref<32x49152xf32, #tpu.memory_space<vmem_shared>> -> memref<8x49152xf32, #tpu.memory_space<vmem_shared>>
    tpu.wait_dma2 semaphore(%arg13 : memref<!tpu.dma_semaphore, #tpu.memory_space<semaphore_mem>>) src(%dma_wait3A_336 : memref<8x49152xf32, #tpu.memory_space<vmem_shared>>) dst(%dma_wait3A_333 : memref<8x49152xf32, #tpu.memory_space<hbm>>)
    return
  }
}

</mosaic_0001>

<sc_bundles>
// kernel: _sc_row_copy.3.cloned.1.call-start
scs
__scs_entry_jumppad:
0x0: {  	(pc) =	sbr.rel $0x88, $3  }
0x1: {  	(tag) =	ssettag $0x0;
	lr =	simm.s32 $0x1  }
0x2: {  	[smem:$0x3F9F] =	sst lr;
	_ =	strace $0xD0000000  }
0x3: {  	_ = 	snop  }
0x4: {  	_ = 	snop  }
0x5: {  	_ = 	snop  }
0x6: {  	_ = 	snop  }
0x7: {  	_ = 	snop  }
__scs_overlays_trampoline_lowered:
0x8: {  	[smem:$0x3FAE] =	sst s0  }
0x9: {  	[smem:$0x3FAF] =	sst s1  }
0xa: {  	[smem:$0x3FB0] =	sst s2  }
0xb: {  	[smem:$0x3FB1] =	sst s3  }
0xc: {  	[smem:$0x3FB2] =	sst s4  }
0xd: {  	[smem:$0x3FB3] =	sst s5  }
0xe: {  	[smem:$0x3FB4] =	sst s6  }
0xf: {  	[smem:$0x3FB5] =	sst s7  }
0x10: {  	[smem:$0x3FB6] =	sst s8  }
0x11: {  	[smem:$0x3FB7] =	sst s9;
	s0 =	simm.s32 @!p0 $0x0  }
0x12: {  	s1 =	sld [smem:$0x3F9D];
	s0 =	simm.s32 @p0 $0x1  }
0x13: {  	[smem:$0x3FB8] =	sst s0;
	s0 =	simm.s32 @!p1 $0x0  }
0x14: {  	s2 =	sld [smem:$0x3F9C];
	s0 =	simm.s32 @p1 $0x1  }
0x15: {  	[smem:$0x3FB9] =	sst s0;
	s0 =	simm.s32 @!p2 $0x0  }
0x16: {  	s3 =	sld [smem:$0x3FDB];
	s0 =	simm.s32 @p2 $0x1  }
0x17: {  	s4 =	simm.s32 $0x1BF5;
	[smem:$0x3FBB] =	sst s0  }
0x18: {  	s0 =	sld [smem:$0x3F9E];
	_ =	swait.ge [sflag:s4], $0x0  }
0x19: {  	s7 =	sld [smem:$0x3F9F]  }
0x1a: {  	s8 =	sadd.s32 $0xFFFFE003, lr  }
0x1b: {  	s9 =	sadd.s32 $0xFFFFFEF7, lr;
	s5 =	simm.s32 $0xFFFFFFFF;
	p2 =	slt.u32 s8, $0xFFFFF086  }
0x1c: {  	p1 =	slt.u32 s9, $0xF7A;
	s5 =	simm.s32 @!p2 $0x0  }
0x1d: {  	s5 =	simm.s32 @p1 $0x1;
	p0 =	seq.s32 s7, s2  }
0x1e: {  	s7 =	smul.u32 @!p0 $0xF7A, s2;
	p2 =	seq.s32 @!p0 s5, $0x0  }
0x1f: {  	s9 =	smul.u32 $0xF7A, s1;
	s8 =	simm.s32 @!p0 $0x1BF5;
	p2 =	por !p2, p0  }
0x20: {  	[sflag:s8] =	ssyncset.s32 @!p0 $0xFFFFF086;
	s6 =	sadd.s32 @!p0 s3, s7;
	s7 =	simm.s32 @!p0 $0x108  }
0x21: {  	s3 =	sadd.s32 s3, s9;
	s6 =	sadd.s32 @!p0 $0x88, s6;
	s7 =	simm.s32 @p2 $0x1082  }
0x22: {  	[simem:s7], [sflag:s8] =	dma.local @!p0 [hbm:s6], $0xF7A  }
0x23: {  	s9 =	sor.u32 $0xD0000000, s2;
	s6 =	simm.s32 $0x108;
	_ =	swait.ge @!p0 [sflag:s8], $0x0  }
0x24: {  	s3 =	sadd.s32 $0x88, s3;
	s6 =	simm.s32 @!p1 $0x1082;
	[sflag:s4] =	ssyncset.s32 $0xFFFFF086  }
0x25: {  	[simem:s6], [sflag:s4] =	dma.local [hbm:s3], $0xF7A  }
0x26: {  	[smem:$0x3F9F] =	sst s1;
	(tag) =	ssettag s2;
	_ =	strace s9  }
0x27: {  	s1 =	sld [smem:$0x3FAF]  }
0x28: {  	s2 =	sld [smem:$0x3FB0]  }
0x29: {  	s4 =	sld [smem:$0x3FB2]  }
0x2a: {  	p0 =	seq.s32 s5, $0x0;
	s5 =	sld [smem:$0x3FB3]  }
0x2b: {  	s6 =	sld [smem:$0x3FB4]  }
0x2c: {  	s7 =	sld [smem:$0x3FB5]  }
0x2d: {  	s3 =	simm.s32 $0x108;
	s8 =	sld [smem:$0x3FB6]  }
0x2e: {  	s3 =	simm.s32 @!p0 $0x1082;
	s9 =	sld [smem:$0x3FB7]  }
0x2f: {  	lr =	sadd.s32 s0, s3;
	s0 =	sld [smem:$0x3FAE]  }
0x30: {  	s3 =	sld [smem:$0x3FB1]  }
0x31: {  	[smem:$0x3FBA] =	sst s10  }
0x32: {  	s10 =	sld [smem:$0x3FB8];
	_ =	sdelay $0x3  }
0x33: {  	p0 =	seq.s32 s10, $0x1;
	s10 =	sld [smem:$0x3FBA];
	_ =	sdelay $0x3  }
0x34: {  	[smem:$0x3FBA] =	sst s10  }
0x35: {  	s10 =	sld [smem:$0x3FB9];
	_ =	sdelay $0x3  }
0x36: {  	p1 =	seq.s32 s10, $0x1;
	s10 =	sld [smem:$0x3FBA];
	_ =	sdelay $0x3  }
0x37: {  	[smem:$0x3FBA] =	sst s10  }
0x38: {  	s10 =	sld [smem:$0x3FBB]  }
0x39: {  	_ = 	snop;
	(pc) =	sbr.ind lr, $3  }
0x3a: {  	_ = 	snop  }
0x3b: {  	_ = 	snop  }
0x3c: {  	p2 =	seq.s32 s10, $0x1;
	s10 =	sld [smem:$0x3FBA]  }
0x3d: {  	_ =	shalt  }
0x3e: {  	_ =	shalt  }
0x3f: {  	_ =	shalt  }
0x40: {  	_ =	shalt  }
0x41: {  	_ =	shalt  }
0x42: {  	_ =	shalt  }
0x43: {  	_ =	shalt  }
0x44: {  	_ =	shalt  }
0x45: {  	_ =	shalt  }
0x46: {  	_ =	shalt  }
0x47: {  	_ =	shalt  }
0x48: {  	_ =	shalt  }
0x49: {  	_ =	shalt  }
0x4a: {  	_ =	shalt  }
0x4b: {  	_ =	shalt  }
0x4c: {  	_ =	shalt  }
0x4d: {  	_ =	shalt  }
0x4e: {  	_ =	shalt  }
0x4f: {  	_ =	shalt  }
0x50: {  	_ =	shalt  }
0x51: {  	_ =	shalt  }
0x52: {  	_ =	shalt  }
0x53: {  	_ =	shalt  }
0x54: {  	_ =	shalt  }
0x55: {  	_ =	shalt  }
0x56: {  	_ =	shalt  }
0x57: {  	_ =	shalt  }
0x58: {  	_ =	shalt  }
0x59: {  	_ =	shalt  }
0x5a: {  	_ =	shalt  }
0x5b: {  	_ =	shalt  }
0x5c: {  	_ =	shalt  }
0x5d: {  	_ =	shalt  }
0x5e: {  	_ =	shalt  }
0x5f: {  	_ =	shalt  }
0x60: {  	_ =	shalt  }
0x61: {  	_ =	shalt  }
0x62: {  	_ =	shalt  }
0x63: {  	_ =	shalt  }
0x64: {  	_ =	shalt  }
0x65: {  	_ =	shalt  }
0x66: {  	_ =	shalt  }
0x67: {  	_ =	shalt  }
0x68: {  	_ =	shalt  }
0x69: {  	_ =	shalt  }
0x6a: {  	_ =	shalt  }
0x6b: {  	_ =	shalt  }
0x6c: {  	_ =	shalt  }
0x6d: {  	_ =	shalt  }
0x6e: {  	_ =	shalt  }
0x6f: {  	_ =	shalt  }
0x70: {  	_ =	shalt  }
0x71: {  	_ =	shalt  }
0x72: {  	_ =	shalt  }
0x73: {  	_ =	shalt  }
0x74: {  	_ =	shalt  }
0x75: {  	_ =	shalt  }
0x76: {  	_ =	shalt  }
0x77: {  	_ =	shalt  }
0x78: {  	_ =	shalt  }
0x79: {  	_ =	shalt  }
0x7a: {  	_ =	shalt  }
0x7b: {  	_ =	shalt  }
0x7c: {  	_ =	shalt  }
0x7d: {  	_ =	shalt  }
0x7e: {  	_ =	shalt  }
0x7f: {  	_ =	shalt  }
0x80: {  	_ =	shalt  }
0x81: {  	_ =	shalt  }
0x82: {  	_ =	shalt  }
0x83: {  	_ =	shalt  }
0x84: {  	_ =	shalt  }
0x85: {  	_ =	shalt  }
0x86: {  	_ =	shalt  }
0x87: {  	_ =	shalt  }
.Lfunc_end0:
.L_simem_size_0:
called_computation_lowered:
.L_overlay_start_0:
0x88: {  	s0 =	sld [smem:$0x3FD9]  }
0x89: {  	s1 =	sld [smem:$0x3FFE];
	_ =	sdelay $0x1  }
0x8a: {  	s2 =	srdreg.scid  }
0x8b: {  	s20 =	sand.u32 $0x1, s2  }
0x8c: {  	s18 =	sshll.u32 s20, $0xA;
	s0 =	sadd.s32 s1, s0  }
0x8d: {  	s0 =	sadd.s32 s0, s18  }
0x8e: {  	s3 =	simm.s32 $0x0;
	[smem:$0x3FC6] =	sst s0  }
0x8f: {  	[smem:$0xF] =	sst s3  }
0x90: {  	s2 =	sld [smem:$0x3FC9]  }
0x91: {  	s0 =	sld [smem:$0x3FC8]  }
0x92: {  	s18 =	sld [smem:$0x3FD0];
	(tm) =	ssettm $0x1  }
0x93: {  	s19 =	sld [smem:$0x3FFB];
	_ =	sdelay $0x3  }
0x94: {  	_ =	strace s19  }
0x95: {  	s1 =	sld [smem:$0x3FFC];
	_ =	sdelay $0x3  }
0x96: {  	_ =	strace s1  }
0x97: {  	s1 =	sld [smem:$0x3FFD];
	_ =	sdelay $0x3  }
0x98: {  	_ =	strace s1  }
0x99: {  	s21 =	simm.s32 $0x1B8B;
	_ =	strace $0x8FFFFFFF  }
0x9a: {  	_ =	swait.ge [sflag:s21], $0x1  }
0x9b: {  	[sflag:s21] =	ssyncset.done $0x0  }
0x9c: {  	s22 =	simm.s32 $0x1B8E;
	[sflag:s21] =	ssyncadd.s32 $0xFFFFFFFF  }
0x9d: {  	s24 =	simm.s32 $0x11;
	s23 =	sshll.u32 s20, $0x6;
	[smem:$0x3FD2] =	sst s22  }
0x9e: {  	s4 =	simm.s32 $0x10;
	s0 =	sadd.s32 s23, s0;
	_ =	strace $0x80000046  }
0x9f: {  	[smem:s4], [sflag:s24] =	dma.local [hbm:s0], $0x40  }
0xa0: {  	_ =	swait.ge [sflag:s24], $0x40  }
0xa1: {  	[sflag:s24] =	ssyncset.done $0x0  }
0xa2: {  	[sflag:s24] =	ssyncadd.s32 $0xFFFFFFC0  }
0xa3: {  	s25 =	sld [smem:$0x10];
	_ =	sdelay $0x3  }
0xa4: {  	s26 =	sshrl.u32 s25, $0x3  }
0xa5: {  	s0 =	sshll.u32 s25, $0x7;
	s1 =	smul.u32 $0x60000, s26  }
0xa6: {  	s0 =	sand.u32 $0x380, s0  }
0xa7: {  	s0 =	sor.u32 s0, s1  }
0xa8: {  	s5 =	simm.s32 $0x9;
	s0 =	sshrl.u32 s0, $0x3  }
0xa9: {  	s6 =	simm.s32 $0x1;
	s7 =	simm.s32 $0x80;
	s0 =	sadd.s32 s2, s0  }
0xaa: {  	[spmem:s3@s7], [sflag:s5] =	dma.strided [hbm:s0@s7], $0x1800, s6, $0x10   }
0xab: {  	s0 =	sld [smem:$0x11];
	_ =	sdelay $0x3  }
0xac: {  	s28 =	sshrl.u32 s0, $0x3  }
0xad: {  	s0 =	sshll.u32 s0, $0x7;
	s1 =	smul.u32 $0x60000, s28  }
0xae: {  	s0 =	sand.u32 $0x380, s0  }
0xaf: {  	s0 =	sor.u32 s0, s1  }
0xb0: {  	s0 =	sshrl.u32 s0, $0x3  }
0xb1: {  	s0 =	sadd.s32 s2, s0  }
0xb2: {  	[spmem:s4@s7], [sflag:s5] =	dma.strided [hbm:s0@s7], $0x1800, s6, $0x10   }
0xb3: {  	s0 =	sld [smem:$0x12];
	_ =	sdelay $0x3  }
0xb4: {  	s29 =	sshrl.u32 s0, $0x3  }
0xb5: {  	s0 =	sshll.u32 s0, $0x7;
	s1 =	smul.u32 $0x60000, s29  }
0xb6: {  	s0 =	sand.u32 $0x380, s0  }
0xb7: {  	s0 =	sor.u32 s0, s1  }
0xb8: {  	s0 =	sshrl.u32 s0, $0x3  }
0xb9: {  	s8 =	simm.s32 $0x20;
	s0 =	sadd.s32 s2, s0  }
0xba: {  	[spmem:s8@s7], [sflag:s5] =	dma.strided [hbm:s0@s7], $0x1800, s6, $0x10   }
0xbb: {  	s0 =	sld [smem:$0x13];
	_ =	sdelay $0x3  }
0xbc: {  	s9 =	sshrl.u32 s0, $0x3  }
0xbd: {  	s0 =	sshll.u32 s0, $0x7;
	s1 =	smul.u32 $0x60000, s9  }
0xbe: {  	s0 =	sand.u32 $0x380, s0  }
0xbf: {  	s0 =	sor.u32 s0, s1  }
0xc0: {  	s0 =	sshrl.u32 s0, $0x3  }
0xc1: {  	s10 =	simm.s32 $0x30;
	s0 =	sadd.s32 s2, s0  }
0xc2: {  	[spmem:s10@s7], [sflag:s5] =	dma.strided [hbm:s0@s7], $0x1800, s6, $0x10   }
0xc3: {  	s0 =	sld [smem:$0x14];
	_ =	sdelay $0x3  }
0xc4: {  	s11 =	sshrl.u32 s0, $0x3  }
0xc5: {  	s0 =	sshll.u32 s0, $0x7;
	s1 =	smul.u32 $0x60000, s11  }
0xc6: {  	s0 =	sand.u32 $0x380, s0  }
0xc7: {  	s0 =	sor.u32 s0, s1  }
0xc8: {  	s0 =	sshrl.u32 s0, $0x3  }
0xc9: {  	s12 =	simm.s32 $0x40;
	s0 =	sadd.s32 s2, s0  }
0xca: {  	[spmem:s12@s7], [sflag:s5] =	dma.strided [hbm:s0@s7], $0x1800, s6, $0x10   }
0xcb: {  	s0 =	sld [smem:$0x15];
	_ =	sdelay $0x3  }
0xcc: {  	s13 =	sshrl.u32 s0, $0x3  }
0xcd: {  	s0 =	sshll.u32 s0, $0x7;
	s1 =	smul.u32 $0x60000, s13  }
0xce: {  	s0 =	sand.u32 $0x380, s0  }
0xcf: {  	s0 =	sor.u32 s0, s1  }
0xd0: {  	s0 =	sshrl.u32 s0, $0x3  }
0xd1: {  	s14 =	simm.s32 $0x50;
	s0 =	sadd.s32 s2, s0  }
0xd2: {  	[spmem:s14@s7], [sflag:s5] =	dma.strided [hbm:s0@s7], $0x1800, s6, $0x10   }
0xd3: {  	s0 =	sld [smem:$0x16];
	_ =	sdelay $0x3  }
0xd4: {  	s15 =	sshrl.u32 s0, $0x3  }
0xd5: {  	s0 =	sshll.u32 s0, $0x7;
	s1 =	smul.u32 $0x60000, s15  }
0xd6: {  	s0 =	sand.u32 $0x380, s0  }
0xd7: {  	s0 =	sor.u32 s0, s1  }
0xd8: {  	s0 =	sshrl.u32 s0, $0x3  }
0xd9: {  	s16 =	simm.s32 $0x60;
	s0 =	sadd.s32 s2, s0  }
0xda: {  	[spmem:s16@s7], [sflag:s5] =	dma.strided [hbm:s0@s7], $0x1800, s6, $0x10   }
0xdb: {  	s0 =	sld [smem:$0x17];
	_ =	sdelay $0x3  }
0xdc: {  	s17 =	sshrl.u32 s0, $0x3  }
0xdd: {  	s0 =	sshll.u32 s0, $0x7;
	s1 =	smul.u32 $0x60000, s17  }
0xde: {  	s0 =	sand.u32 $0x380, s0  }
0xdf: {  	s0 =	sor.u32 s0, s1  }
0xe0: {  	s0 =	sshrl.u32 s0, $0x3  }
0xe1: {  	s19 =	simm.s32 $0x70;
	s0 =	sadd.s32 s2, s0  }
0xe2: {  	[spmem:s19@s7], [sflag:s5] =	dma.strided [hbm:s0@s7], $0x1800, s6, $0x10   }
0xe3: {  	s0 =	sld [smem:$0x18];
	_ =	sdelay $0x3  }
0xe4: {  	s21 =	sshrl.u32 s0, $0x3  }
0xe5: {  	s0 =	sshll.u32 s0, $0x7;
	s1 =	smul.u32 $0x60000, s21  }
0xe6: {  	s0 =	sand.u32 $0x380, s0  }
0xe7: {  	s0 =	sor.u32 s0, s1  }
0xe8: {  	s0 =	sshrl.u32 s0, $0x3  }
0xe9: {  	s14 =	simm.s32 $0xA;
	s15 =	simm.s32 $0xC000;
	s0 =	sadd.s32 s2, s0  }
0xea: {  	[spmem:s15@s7], [sflag:s14] =	dma.strided [hbm:s0@s7], $0x1800, s6, $0x10   }
0xeb: {  	s0 =	sld [smem:$0x19];
	_ =	sdelay $0x3  }
0xec: {  	s22 =	sshrl.u32 s0, $0x3  }
0xed: {  	s0 =	sshll.u32 s0, $0x7;
	s1 =	smul.u32 $0x60000, s22  }
0xee: {  	s0 =	sand.u32 $0x380, s0  }
0xef: {  	s0 =	sor.u32 s0, s1  }
0xf0: {  	s0 =	sshrl.u32 s0, $0x3  }
0xf1: {  	s23 =	simm.s32 $0xC010;
	s0 =	sadd.s32 s2, s0  }
0xf2: {  	[spmem:s23@s7], [sflag:s14] =	dma.strided [hbm:s0@s7], $0x1800, s6, $0x10   }
0xf3: {  	s0 =	sld [smem:$0x1A];
	_ =	sdelay $0x3  }
0xf4: {  	s24 =	sshrl.u32 s0, $0x3  }
0xf5: {  	s0 =	sshll.u32 s0, $0x7;
	s1 =	smul.u32 $0x60000, s24  }
0xf6: {  	s0 =	sand.u32 $0x380, s0  }
0xf7: {  	s0 =	sor.u32 s0, s1  }
0xf8: {  	s0 =	sshrl.u32 s0, $0x3  }
0xf9: {  	s25 =	simm.s32 $0xC020;
	s0 =	sadd.s32 s2, s0  }
0xfa: {  	[spmem:s25@s7], [sflag:s14] =	dma.strided [hbm:s0@s7], $0x1800, s6, $0x10   }
0xfb: {  	s0 =	sld [smem:$0x1B];
	_ =	sdelay $0x3  }
0xfc: {  	s26 =	sshrl.u32 s0, $0x3  }
0xfd: {  	s0 =	sshll.u32 s0, $0x7;
	s1 =	smul.u32 $0x60000, s26  }
0xfe: {  	s0 =	sand.u32 $0x380, s0  }
0xff: {  	s0 =	sor.u32 s0, s1  }
0x100: {  	s0 =	sshrl.u32 s0, $0x3  }
0x101: {  	s28 =	simm.s32 $0xC030;
	s0 =	sadd.s32 s2, s0  }
0x102: {  	[spmem:s28@s7], [sflag:s14] =	dma.strided [hbm:s0@s7], $0x1800, s6, $0x10   }
0x103: {  	s0 =	sld [smem:$0x1C];
	_ =	sdelay $0x3  }
0x104: {  	s29 =	sshrl.u32 s0, $0x3  }
0x105: {  	s0 =	sshll.u32 s0, $0x7;
	s1 =	smul.u32 $0x60000, s29  }
0x106: {  	s0 =	sand.u32 $0x380, s0  }
0x107: {  	s0 =	sor.u32 s0, s1  }
0x108: {  	s0 =	sshrl.u32 s0, $0x3  }
0x109: {  	s8 =	simm.s32 $0xC040;
	s0 =	sadd.s32 s2, s0  }
0x10a: {  	[spmem:s8@s7], [sflag:s14] =	dma.strided [hbm:s0@s7], $0x1800, s6, $0x10   }
0x10b: {  	s0 =	sld [smem:$0x1D];
	_ =	sdelay $0x3  }
0x10c: {  	s9 =	sshrl.u32 s0, $0x3  }
0x10d: {  	s0 =	sshll.u32 s0, $0x7;
	s1 =	smul.u32 $0x60000, s9  }
0x10e: {  	s0 =	sand.u32 $0x380, s0  }
0x10f: {  	s0 =	sor.u32 s0, s1  }
0x110: {  	s0 =	sshrl.u32 s0, $0x3  }
0x111: {  	s10 =	simm.s32 $0xC050;
	s0 =	sadd.s32 s2, s0  }
0x112: {  	[spmem:s10@s7], [sflag:s14] =	dma.strided [hbm:s0@s7], $0x1800, s6, $0x10   }
0x113: {  	s0 =	sld [smem:$0x1E];
	_ =	sdelay $0x3  }
0x114: {  	s11 =	sshrl.u32 s0, $0x3  }
0x115: {  	s0 =	sshll.u32 s0, $0x7;
	s1 =	smul.u32 $0x60000, s11  }
0x116: {  	s0 =	sand.u32 $0x380, s0  }
0x117: {  	s0 =	sor.u32 s0, s1  }
0x118: {  	s0 =	sshrl.u32 s0, $0x3  }
0x119: {  	s12 =	simm.s32 $0xC060;
	s0 =	sadd.s32 s2, s0  }
0x11a: {  	[spmem:s12@s7], [sflag:s14] =	dma.strided [hbm:s0@s7], $0x1800, s6, $0x10   }
0x11b: {  	s0 =	sld [smem:$0x1F];
	_ =	sdelay $0x3  }
0x11c: {  	s13 =	sshrl.u32 s0, $0x3  }
0x11d: {  	s0 =	sshll.u32 s0, $0x7;
	s1 =	smul.u32 $0x60000, s13  }
0x11e: {  	s0 =	sand.u32 $0x380, s0  }
0x11f: {  	s0 =	sor.u32 s0, s1  }
0x120: {  	s0 =	sshrl.u32 s0, $0x3  }
0x121: {  	s16 =	simm.s32 $0xC070;
	s0 =	sadd.s32 s2, s0  }
0x122: {  	[spmem:s16@s7], [sflag:s14] =	dma.strided [hbm:s0@s7], $0x1800, s6, $0x10   }
0x123: {  	s0 =	sld [smem:$0x20];
	_ =	sdelay $0x3  }
0x124: {  	s17 =	sshrl.u32 s0, $0x3  }
0x125: {  	s0 =	sshll.u32 s0, $0x7;
	s1 =	smul.u32 $0x60000, s17  }
0x126: {  	s0 =	sand.u32 $0x380, s0  }
0x127: {  	s0 =	sor.u32 s0, s1  }
0x128: {  	s0 =	sshrl.u32 s0, $0x3  }
0x129: {  	s23 =	simm.s32 $0xB;
	s24 =	simm.s32 $0x18000;
	s0 =	sadd.s32 s2, s0  }
0x12a: {  	[spmem:s24@s7], [sflag:s23] =	dma.strided [hbm:s0@s7], $0x1800, s6, $0x10   }
0x12b: {  	s0 =	sld [smem:$0x21];
	_ =	sdelay $0x3  }
0x12c: {  	s19 =	sshrl.u32 s0, $0x3  }
0x12d: {  	s0 =	sshll.u32 s0, $0x7;
	s1 =	smul.u32 $0x60000, s19  }
0x12e: {  	s0 =	sand.u32 $0x380, s0  }
0x12f: {  	s0 =	sor.u32 s0, s1  }
0x130: {  	s0 =	sshrl.u32 s0, $0x3  }
0x131: {  	s21 =	simm.s32 $0x18010;
	s0 =	sadd.s32 s2, s0  }
0x132: {  	[spmem:s21@s7], [sflag:s23] =	dma.strided [hbm:s0@s7], $0x1800, s6, $0x10   }
0x133: {  	s0 =	sld [smem:$0x22];
	_ =	sdelay $0x3  }
0x134: {  	s22 =	sshrl.u32 s0, $0x3  }
0x135: {  	s0 =	sshll.u32 s0, $0x7;
	s1 =	smul.u32 $0x60000, s22  }
0x136: {  	s0 =	sand.u32 $0x380, s0  }
0x137: {  	s0 =	sor.u32 s0, s1  }
0x138: {  	s0 =	sshrl.u32 s0, $0x3  }
0x139: {  	s25 =	simm.s32 $0x18020;
	s0 =	sadd.s32 s2, s0  }
0x13a: {  	[spmem:s25@s7], [sflag:s23] =	dma.strided [hbm:s0@s7], $0x1800, s6, $0x10   }
0x13b: {  	s0 =	sld [smem:$0x23];
	_ =	sdelay $0x3  }
0x13c: {  	s26 =	sshrl.u32 s0, $0x3  }
0x13d: {  	s0 =	sshll.u32 s0, $0x7;
	s1 =	smul.u32 $0x60000, s26  }
0x13e: {  	s0 =	sand.u32 $0x380, s0  }
0x13f: {  	s0 =	sor.u32 s0, s1  }
0x140: {  	s0 =	sshrl.u32 s0, $0x3  }
0x141: {  	s28 =	simm.s32 $0x18030;
	s0 =	sadd.s32 s2, s0  }
0x142: {  	[spmem:s28@s7], [sflag:s23] =	dma.strided [hbm:s0@s7], $0x1800, s6, $0x10   }
0x143: {  	s0 =	sld [smem:$0x24];
	_ =	sdelay $0x3  }
0x144: {  	s29 =	sshrl.u32 s0, $0x3  }
0x145: {  	s0 =	sshll.u32 s0, $0x7;
	s1 =	smul.u32 $0x60000, s29  }
0x146: {  	s0 =	sand.u32 $0x380, s0  }
0x147: {  	s0 =	sor.u32 s0, s1  }
0x148: {  	s0 =	sshrl.u32 s0, $0x3  }
0x149: {  	s8 =	simm.s32 $0x18040;
	s0 =	sadd.s32 s2, s0  }
0x14a: {  	[spmem:s8@s7], [sflag:s23] =	dma.strided [hbm:s0@s7], $0x1800, s6, $0x10   }
0x14b: {  	s0 =	sld [smem:$0x25];
	_ =	sdelay $0x3  }
0x14c: {  	s9 =	sshrl.u32 s0, $0x3  }
0x14d: {  	s0 =	sshll.u32 s0, $0x7;
	s1 =	smul.u32 $0x60000, s9  }
0x14e: {  	s0 =	sand.u32 $0x380, s0  }
0x14f: {  	s0 =	sor.u32 s0, s1  }
0x150: {  	s0 =	sshrl.u32 s0, $0x3  }
0x151: {  	s31 =	simm.s32 $0x18050;
	s0 =	sadd.s32 s2, s0  }
0x152: {  	[spmem:s31@s7], [sflag:s23] =	dma.strided [hbm:s0@s7], $0x1800, s6, $0x10   }
0x153: {  	s0 =	sld [smem:$0x26];
	_ =	sdelay $0x3  }
0x154: {  	s10 =	sshrl.u32 s0, $0x3  }
0x155: {  	s0 =	sshll.u32 s0, $0x7;
	s1 =	smul.u32 $0x60000, s10  }
0x156: {  	s0 =	sand.u32 $0x380, s0  }
0x157: {  	s0 =	sor.u32 s0, s1  }
0x158: {  	s0 =	sshrl.u32 s0, $0x3  }
0x159: {  	s30 =	simm.s32 $0x18060;
	s0 =	sadd.s32 s2, s0  }
0x15a: {  	[spmem:s30@s7], [sflag:s23] =	dma.strided [hbm:s0@s7], $0x1800, s6, $0x10   }
0x15b: {  	s0 =	sld [smem:$0x27];
	_ =	sdelay $0x3  }
0x15c: {  	s11 =	sshrl.u32 s0, $0x3  }
0x15d: {  	s0 =	sshll.u32 s0, $0x7;
	s1 =	smul.u32 $0x60000, s11  }
0x15e: {  	s0 =	sand.u32 $0x380, s0  }
0x15f: {  	s0 =	sor.u32 s0, s1  }
0x160: {  	s0 =	sshrl.u32 s0, $0x3  }
0x161: {  	s29 =	simm.s32 $0x18070;
	s0 =	sadd.s32 s2, s0  }
0x162: {  	[spmem:s29@s7], [sflag:s23] =	dma.strided [hbm:s0@s7], $0x1800, s6, $0x10   }
0x163: {  	s0 =	sld [smem:$0x28];
	_ =	sdelay $0x3  }
0x164: {  	s8 =	sshrl.u32 s0, $0x3  }
0x165: {  	s0 =	sshll.u32 s0, $0x7;
	s8 =	smul.u32 $0x60000, s8  }
0x166: {  	s0 =	sand.u32 $0x380, s0  }
0x167: {  	s0 =	sor.u32 s0, s8  }
0x168: {  	s0 =	sshrl.u32 s0, $0x3  }
0x169: {  	s8 =	simm.s32 $0xC;
	s9 =	sadd.s32 s2, s0;
	s0 =	simm.s32 $0x24000  }
0x16a: {  	[spmem:s0@s7], [sflag:s8] =	dma.strided [hbm:s9@s7], $0x1800, s6, $0x10   }
0x16b: {  	s9 =	sld [smem:$0x29];
	_ =	sdelay $0x3  }
0x16c: {  	s10 =	sshrl.u32 s9, $0x3  }
0x16d: {  	s9 =	sshll.u32 s9, $0x7;
	s10 =	smul.u32 $0x60000, s10  }
0x16e: {  	s9 =	sand.u32 $0x380, s9  }
0x16f: {  	s9 =	sor.u32 s9, s10  }
0x170: {  	s9 =	sshrl.u32 s9, $0x3  }
0x171: {  	s1 =	simm.s32 $0x24010;
	s12 =	sadd.s32 s2, s9  }
0x172: {  	[spmem:s1@s7], [sflag:s8] =	dma.strided [hbm:s12@s7], $0x1800, s6, $0x10   }
0x173: {  	s10 =	sld [smem:$0x2A];
	_ =	sdelay $0x3  }
0x174: {  	s11 =	sshrl.u32 s10, $0x3  }
0x175: {  	s10 =	sshll.u32 s10, $0x7;
	s11 =	smul.u32 $0x60000, s11  }
0x176: {  	s10 =	sand.u32 $0x380, s10  }
0x177: {  	s10 =	sor.u32 s10, s11  }
0x178: {  	s10 =	sshrl.u32 s10, $0x3  }
0x179: {  	s9 =	simm.s32 $0x24020;
	s13 =	sadd.s32 s2, s10  }
0x17a: {  	[spmem:s9@s7], [sflag:s8] =	dma.strided [hbm:s13@s7], $0x1800, s6, $0x10   }
0x17b: {  	s11 =	sld [smem:$0x2B];
	_ =	sdelay $0x3  }
0x17c: {  	s12 =	sshrl.u32 s11, $0x3  }
0x17d: {  	s11 =	sshll.u32 s11, $0x7;
	s12 =	smul.u32 $0x60000, s12  }
0x17e: {  	s11 =	sand.u32 $0x380, s11  }
0x17f: {  	s11 =	sor.u32 s11, s12  }
0x180: {  	s11 =	sshrl.u32 s11, $0x3  }
0x181: {  	s10 =	simm.s32 $0x24030;
	s16 =	sadd.s32 s2, s11  }
0x182: {  	[spmem:s10@s7], [sflag:s8] =	dma.strided [hbm:s16@s7], $0x1800, s6, $0x10   }
0x183: {  	s12 =	sld [smem:$0x2C];
	_ =	sdelay $0x3  }
0x184: {  	s13 =	sshrl.u32 s12, $0x3  }
0x185: {  	s12 =	sshll.u32 s12, $0x7;
	s13 =	smul.u32 $0x60000, s13  }
0x186: {  	s12 =	sand.u32 $0x380, s12  }
0x187: {  	s12 =	sor.u32 s12, s13  }
0x188: {  	s12 =	sshrl.u32 s12, $0x3  }
0x189: {  	s11 =	simm.s32 $0x24040;
	s17 =	sadd.s32 s2, s12  }
0x18a: {  	[spmem:s11@s7], [sflag:s8] =	dma.strided [hbm:s17@s7], $0x1800, s6, $0x10   }
0x18b: {  	s13 =	sld [smem:$0x2D];
	_ =	sdelay $0x3  }
0x18c: {  	s16 =	sshrl.u32 s13, $0x3  }
0x18d: {  	s13 =	sshll.u32 s13, $0x7;
	s16 =	smul.u32 $0x60000, s16  }
0x18e: {  	s13 =	sand.u32 $0x380, s13  }
0x18f: {  	s13 =	sor.u32 s13, s16  }
0x190: {  	s13 =	sshrl.u32 s13, $0x3  }
0x191: {  	s12 =	simm.s32 $0x24050;
	s19 =	sadd.s32 s2, s13  }
0x192: {  	[spmem:s12@s7], [sflag:s8] =	dma.strided [hbm:s19@s7], $0x1800, s6, $0x10   }
0x193: {  	s16 =	sld [smem:$0x2E];
	_ =	sdelay $0x3  }
0x194: {  	s17 =	sshrl.u32 s16, $0x3  }
0x195: {  	s16 =	sshll.u32 s16, $0x7;
	s17 =	smul.u32 $0x60000, s17  }
0x196: {  	s16 =	sand.u32 $0x380, s16  }
0x197: {  	s16 =	sor.u32 s16, s17  }
0x198: {  	s16 =	sshrl.u32 s16, $0x3  }
0x199: {  	s26 =	simm.s32 $0x24060;
	s21 =	sadd.s32 s2, s16  }
0x19a: {  	[spmem:s26@s7], [sflag:s8] =	dma.strided [hbm:s21@s7], $0x1800, s6, $0x10   }
0x19b: {  	s17 =	sld [smem:$0x2F];
	_ =	sdelay $0x3  }
0x19c: {  	s19 =	sshrl.u32 s17, $0x3  }
0x19d: {  	s17 =	sshll.u32 s17, $0x7;
	s19 =	smul.u32 $0x60000, s19  }
0x19e: {  	s17 =	sand.u32 $0x380, s17  }
0x19f: {  	s17 =	sor.u32 s17, s19  }
0x1a0: {  	s17 =	sshrl.u32 s17, $0x3  }
0x1a1: {  	s28 =	simm.s32 $0x24070;
	s22 =	sadd.s32 s2, s17  }
0x1a2: {  	[spmem:s28@s7], [sflag:s8] =	dma.strided [hbm:s22@s7], $0x1800, s6, $0x10   }
0x1a3: {  	_ =	swait.ge [sflag:s5], $0xC000  }
0x1a4: {  	s25 =	smul.u32 $0x300000, s20;
	[sflag:s5] =	ssyncset.done $0x0  }
0x1a5: {  	[sflag:s5] =	ssyncadd.s32 $0xFFFF4000  }
0x1a6: {  	s18 =	sadd.s32 s25, s18;
	s19 =	simm.s32 $0xD;
	[dreg:$0x0] =	wrdreg s20  }
0x1a7: {  	[hbm:s18], [sflag:s19] =	dma.local [spmem:s3], $0xC000  }
0x1a8: {  	_ =	swait.ge [sflag:s14], $0xC000  }
0x1a9: {  	[sflag:s14] =	ssyncset.done $0x0  }
0x1aa: {  	[sflag:s14] =	ssyncadd.s32 $0xFFFF4000  }
0x1ab: {  	s21 =	sadd.s32 $0xC000, s18;
	s20 =	simm.s32 $0xE  }
0x1ac: {  	[hbm:s21], [sflag:s20] =	dma.local [spmem:s15], $0xC000  }
0x1ad: {  	_ =	swait.ge [sflag:s23], $0xC000  }
0x1ae: {  	[sflag:s23] =	ssyncset.done $0x0  }
0x1af: {  	[sflag:s23] =	ssyncadd.s32 $0xFFFF4000  }
0x1b0: {  	s22 =	sadd.s32 $0x18000, s18;
	s21 =	simm.s32 $0xF  }
0x1b1: {  	[hbm:s22], [sflag:s21] =	dma.local [spmem:s24], $0xC000  }
0x1b2: {  	_ =	swait.ge [sflag:s8], $0xC000  }
0x1b3: {  	[sflag:s8] =	ssyncset.done $0x0  }
0x1b4: {  	[sflag:s8] =	ssyncadd.s32 $0xFFFF4000  }
0x1b5: {  	s13 =	sadd.s32 $0x24000, s18  }
0x1b6: {  	[hbm:s13], [sflag:s4] =	dma.local [spmem:s0], $0xC000  }
0x1b7: {  	_ =	swait.ge [sflag:s19], $0xC000  }
0x1b8: {  	[sflag:s19] =	ssyncset.done $0x0  }
0x1b9: {  	[sflag:s19] =	ssyncadd.s32 $0xFFFF4000  }
0x1ba: {  	s16 =	sld [smem:$0x30];
	_ =	sdelay $0x3  }
0x1bb: {  	s25 =	sshrl.u32 s16, $0x3  }
0x1bc: {  	s22 =	sshll.u32 s16, $0x7;
	s25 =	smul.u32 $0x60000, s25  }
0x1bd: {  	s22 =	sand.u32 $0x380, s22  }
0x1be: {  	s22 =	sor.u32 s22, s25  }
0x1bf: {  	s22 =	sshrl.u32 s22, $0x3  }
0x1c0: {  	s22 =	sadd.s32 s2, s22  }
0x1c1: {  	[spmem:s3@s7], [sflag:s5] =	dma.strided [hbm:s22@s7], $0x1800, s6, $0x10   }
0x1c2: {  	s22 =	sld [smem:$0x31];
	_ =	sdelay $0x3  }
0x1c3: {  	s17 =	sshrl.u32 s22, $0x3  }
0x1c4: {  	s22 =	sshll.u32 s22, $0x7;
	s25 =	smul.u32 $0x60000, s17  }
0x1c5: {  	s22 =	sand.u32 $0x380, s22  }
0x1c6: {  	s22 =	sor.u32 s22, s25  }
0x1c7: {  	s22 =	sshrl.u32 s22, $0x3  }
0x1c8: {  	s22 =	sadd.s32 s2, s22  }
0x1c9: {  	[spmem:s4@s7], [sflag:s5] =	dma.strided [hbm:s22@s7], $0x1800, s6, $0x10   }
0x1ca: {  	s22 =	sld [smem:$0x32];
	_ =	sdelay $0x3  }
0x1cb: {  	s13 =	sshrl.u32 s22, $0x3  }
0x1cc: {  	s22 =	sshll.u32 s22, $0x7;
	s25 =	smul.u32 $0x60000, s13  }
0x1cd: {  	s22 =	sand.u32 $0x380, s22  }
0x1ce: {  	s22 =	sor.u32 s22, s25  }
0x1cf: {  	s22 =	sshrl.u32 s22, $0x3  }
0x1d0: {  	s16 =	simm.s32 $0x20;
	s22 =	sadd.s32 s2, s22  }
0x1d1: {  	[spmem:s16@s7], [sflag:s5] =	dma.strided [hbm:s22@s7], $0x1800, s6, $0x10   }
0x1d2: {  	s22 =	sld [smem:$0x33];
	_ =	sdelay $0x3  }
0x1d3: {  	s17 =	sshrl.u32 s22, $0x3  }
0x1d4: {  	s22 =	sshll.u32 s22, $0x7;
	s25 =	smul.u32 $0x60000, s17  }
0x1d5: {  	s22 =	sand.u32 $0x380, s22  }
0x1d6: {  	s22 =	sor.u32 s22, s25  }
0x1d7: {  	s22 =	sshrl.u32 s22, $0x3  }
0x1d8: {  	s25 =	simm.s32 $0x30;
	s22 =	sadd.s32 s2, s22  }
0x1d9: {  	[spmem:s25@s7], [sflag:s5] =	dma.strided [hbm:s22@s7], $0x1800, s6, $0x10   }
0x1da: {  	s22 =	sld [smem:$0x34];
	_ =	sdelay $0x3  }
0x1db: {  	s13 =	sshrl.u32 s22, $0x3  }
0x1dc: {  	s22 =	sshll.u32 s22, $0x7;
	s25 =	smul.u32 $0x60000, s13  }
0x1dd: {  	s22 =	sand.u32 $0x380, s22  }
0x1de: {  	s22 =	sor.u32 s22, s25  }
0x1df: {  	s22 =	sshrl.u32 s22, $0x3  }
0x1e0: {  	s16 =	simm.s32 $0x40;
	s22 =	sadd.s32 s2, s22  }
0x1e1: {  	[spmem:s16@s7], [sflag:s5] =	dma.strided [hbm:s22@s7], $0x1800, s6, $0x10   }
0x1e2: {  	s22 =	sld [smem:$0x35];
	_ =	sdelay $0x3  }
0x1e3: {  	s17 =	sshrl.u32 s22, $0x3  }
0x1e4: {  	s22 =	sshll.u32 s22, $0x7;
	s25 =	smul.u32 $0x60000, s17  }
0x1e5: {  	s22 =	sand.u32 $0x380, s22  }
0x1e6: {  	s22 =	sor.u32 s22, s25  }
0x1e7: {  	s22 =	sshrl.u32 s22, $0x3  }
0x1e8: {  	s25 =	simm.s32 $0x50;
	s22 =	sadd.s32 s2, s22  }
0x1e9: {  	[spmem:s25@s7], [sflag:s5] =	dma.strided [hbm:s22@s7], $0x1800, s6, $0x10   }
0x1ea: {  	s22 =	sld [smem:$0x36];
	_ =	sdelay $0x3  }
0x1eb: {  	s13 =	sshrl.u32 s22, $0x3  }
0x1ec: {  	s22 =	sshll.u32 s22, $0x7;
	s25 =	smul.u32 $0x60000, s13  }
0x1ed: {  	s22 =	sand.u32 $0x380, s22  }
0x1ee: {  	s22 =	sor.u32 s22, s25  }
0x1ef: {  	s22 =	sshrl.u32 s22, $0x3  }
0x1f0: {  	s16 =	simm.s32 $0x60;
	s22 =	sadd.s32 s2, s22  }
0x1f1: {  	[spmem:s16@s7], [sflag:s5] =	dma.strided [hbm:s22@s7], $0x1800, s6, $0x10   }
0x1f2: {  	s22 =	sld [smem:$0x37];
	_ =	sdelay $0x3  }
0x1f3: {  	s17 =	sshrl.u32 s22, $0x3  }
0x1f4: {  	s22 =	sshll.u32 s22, $0x7;
	s25 =	smul.u32 $0x60000, s17  }
0x1f5: {  	s22 =	sand.u32 $0x380, s22  }
0x1f6: {  	s22 =	sor.u32 s22, s25  }
0x1f7: {  	s22 =	sshrl.u32 s22, $0x3  }
0x1f8: {  	s25 =	simm.s32 $0x70;
	s22 =	sadd.s32 s2, s22  }
0x1f9: {  	[spmem:s25@s7], [sflag:s5] =	dma.strided [hbm:s22@s7], $0x1800, s6, $0x10   }
0x1fa: {  	_ =	swait.ge [sflag:s20], $0xC000  }
0x1fb: {  	[sflag:s20] =	ssyncset.done $0x0  }
0x1fc: {  	[sflag:s20] =	ssyncadd.s32 $0xFFFF4000  }
0x1fd: {  	s13 =	sld [smem:$0x38];
	_ =	sdelay $0x3  }
0x1fe: {  	s16 =	sshrl.u32 s13, $0x3  }
0x1ff: {  	s22 =	sshll.u32 s13, $0x7;
	s25 =	smul.u32 $0x60000, s16  }
0x200: {  	s22 =	sand.u32 $0x380, s22  }
0x201: {  	s22 =	sor.u32 s22, s25  }
0x202: {  	s22 =	sshrl.u32 s22, $0x3  }
0x203: {  	s22 =	sadd.s32 s2, s22  }
0x204: {  	[spmem:s15@s7], [sflag:s14] =	dma.strided [hbm:s22@s7], $0x1800, s6, $0x10   }
0x205: {  	s22 =	sld [smem:$0x39];
	_ =	sdelay $0x3  }
0x206: {  	s17 =	sshrl.u32 s22, $0x3  }
0x207: {  	s22 =	sshll.u32 s22, $0x7;
	s25 =	smul.u32 $0x60000, s17  }
0x208: {  	s22 =	sand.u32 $0x380, s22  }
0x209: {  	s22 =	sor.u32 s22, s25  }
0x20a: {  	s22 =	sshrl.u32 s22, $0x3  }
0x20b: {  	s25 =	simm.s32 $0xC010;
	s22 =	sadd.s32 s2, s22  }
0x20c: {  	[spmem:s25@s7], [sflag:s14] =	dma.strided [hbm:s22@s7], $0x1800, s6, $0x10   }
0x20d: {  	s22 =	sld [smem:$0x3A];
	_ =	sdelay $0x3  }
0x20e: {  	s13 =	sshrl.u32 s22, $0x3  }
0x20f: {  	s22 =	sshll.u32 s22, $0x7;
	s25 =	smul.u32 $0x60000, s13  }
0x210: {  	s22 =	sand.u32 $0x380, s22  }
0x211: {  	s22 =	sor.u32 s22, s25  }
0x212: {  	s22 =	sshrl.u32 s22, $0x3  }
0x213: {  	s16 =	simm.s32 $0xC020;
	s22 =	sadd.s32 s2, s22  }
0x214: {  	[spmem:s16@s7], [sflag:s14] =	dma.strided [hbm:s22@s7], $0x1800, s6, $0x10   }
0x215: {  	s22 =	sld [smem:$0x3B];
	_ =	sdelay $0x3  }
0x216: {  	s17 =	sshrl.u32 s22, $0x3  }
0x217: {  	s22 =	sshll.u32 s22, $0x7;
	s25 =	smul.u32 $0x60000, s17  }
0x218: {  	s22 =	sand.u32 $0x380, s22  }
0x219: {  	s22 =	sor.u32 s22, s25  }
0x21a: {  	s22 =	sshrl.u32 s22, $0x3  }
0x21b: {  	s25 =	simm.s32 $0xC030;
	s22 =	sadd.s32 s2, s22  }
0x21c: {  	[spmem:s25@s7], [sflag:s14] =	dma.strided [hbm:s22@s7], $0x1800, s6, $0x10   }
0x21d: {  	s22 =	sld [smem:$0x3C];
	_ =	sdelay $0x3  }
0x21e: {  	s13 =	sshrl.u32 s22, $0x3  }
0x21f: {  	s22 =	sshll.u32 s22, $0x7;
	s25 =	smul.u32 $0x60000, s13  }
0x220: {  	s22 =	sand.u32 $0x380, s22  }
0x221: {  	s22 =	sor.u32 s22, s25  }
0x222: {  	s22 =	sshrl.u32 s22, $0x3  }
0x223: {  	s16 =	simm.s32 $0xC040;
	s22 =	sadd.s32 s2, s22  }
0x224: {  	[spmem:s16@s7], [sflag:s14] =	dma.strided [hbm:s22@s7], $0x1800, s6, $0x10   }
0x225: {  	s22 =	sld [smem:$0x3D];
	_ =	sdelay $0x3  }
0x226: {  	s17 =	sshrl.u32 s22, $0x3  }
0x227: {  	s22 =	sshll.u32 s22, $0x7;
	s25 =	smul.u32 $0x60000, s17  }
0x228: {  	s22 =	sand.u32 $0x380, s22  }
0x229: {  	s22 =	sor.u32 s22, s25  }
0x22a: {  	s22 =	sshrl.u32 s22, $0x3  }
0x22b: {  	s25 =	simm.s32 $0xC050;
	s22 =	sadd.s32 s2, s22  }
0x22c: {  	[spmem:s25@s7], [sflag:s14] =	dma.strided [hbm:s22@s7], $0x1800, s6, $0x10   }
0x22d: {  	s22 =	sld [smem:$0x3E];
	_ =	sdelay $0x3  }
0x22e: {  	s13 =	sshrl.u32 s22, $0x3  }
0x22f: {  	s22 =	sshll.u32 s22, $0x7;
	s25 =	smul.u32 $0x60000, s13  }
0x230: {  	s22 =	sand.u32 $0x380, s22  }
0x231: {  	s22 =	sor.u32 s22, s25  }
0x232: {  	s22 =	sshrl.u32 s22, $0x3  }
0x233: {  	s16 =	simm.s32 $0xC060;
	s22 =	sadd.s32 s2, s22  }
0x234: {  	[spmem:s16@s7], [sflag:s14] =	dma.strided [hbm:s22@s7], $0x1800, s6, $0x10   }
0x235: {  	s22 =	sld [smem:$0x3F];
	_ =	sdelay $0x3  }
0x236: {  	s17 =	sshrl.u32 s22, $0x3  }
0x237: {  	s22 =	sshll.u32 s22, $0x7;
	s25 =	smul.u32 $0x60000, s17  }
0x238: {  	s22 =	sand.u32 $0x380, s22  }
0x239: {  	s22 =	sor.u32 s22, s25  }
0x23a: {  	s22 =	sshrl.u32 s22, $0x3  }
0x23b: {  	s25 =	simm.s32 $0xC070;
	s22 =	sadd.s32 s2, s22  }
0x23c: {  	[spmem:s25@s7], [sflag:s14] =	dma.strided [hbm:s22@s7], $0x1800, s6, $0x10   }
0x23d: {  	_ =	swait.ge [sflag:s21], $0xC000  }
0x23e: {  	[sflag:s21] =	ssyncset.done $0x0  }
0x23f: {  	[sflag:s21] =	ssyncadd.s32 $0xFFFF4000  }
0x240: {  	s16 =	sld [smem:$0x40];
	_ =	sdelay $0x3  }
0x241: {  	s17 =	sshrl.u32 s16, $0x3  }
0x242: {  	s22 =	sshll.u32 s16, $0x7;
	s25 =	smul.u32 $0x60000, s17  }
0x243: {  	s22 =	sand.u32 $0x380, s22  }
0x244: {  	s22 =	sor.u32 s22, s25  }
0x245: {  	s22 =	sshrl.u32 s22, $0x3  }
0x246: {  	s22 =	sadd.s32 s2, s22  }
0x247: {  	[spmem:s24@s7], [sflag:s23] =	dma.strided [hbm:s22@s7], $0x1800, s6, $0x10   }
0x248: {  	s22 =	sld [smem:$0x41];
	_ =	sdelay $0x3  }
0x249: {  	s13 =	sshrl.u32 s22, $0x3  }
0x24a: {  	s22 =	sshll.u32 s22, $0x7;
	s25 =	smul.u32 $0x60000, s13  }
0x24b: {  	s22 =	sand.u32 $0x380, s22  }
0x24c: {  	s22 =	sor.u32 s22, s25  }
0x24d: {  	s22 =	sshrl.u32 s22, $0x3  }
0x24e: {  	s16 =	simm.s32 $0x18010;
	s22 =	sadd.s32 s2, s22  }
0x24f: {  	[spmem:s16@s7], [sflag:s23] =	dma.strided [hbm:s22@s7], $0x1800, s6, $0x10   }
0x250: {  	s22 =	sld [smem:$0x42];
	_ =	sdelay $0x3  }
0x251: {  	s17 =	sshrl.u32 s22, $0x3  }
0x252: {  	s22 =	sshll.u32 s22, $0x7;
	s25 =	smul.u32 $0x60000, s17  }
0x253: {  	s22 =	sand.u32 $0x380, s22  }
0x254: {  	s22 =	sor.u32 s22, s25  }
0x255: {  	s22 =	sshrl.u32 s22, $0x3  }
0x256: {  	s25 =	simm.s32 $0x18020;
	s22 =	sadd.s32 s2, s22  }
0x257: {  	[spmem:s25@s7], [sflag:s23] =	dma.strided [hbm:s22@s7], $0x1800, s6, $0x10   }
0x258: {  	s22 =	sld [smem:$0x43];
	_ =	sdelay $0x3  }
0x259: {  	s13 =	sshrl.u32 s22, $0x3  }
0x25a: {  	s22 =	sshll.u32 s22, $0x7;
	s25 =	smul.u32 $0x60000, s13  }
0x25b: {  	s22 =	sand.u32 $0x380, s22  }
0x25c: {  	s22 =	sor.u32 s22, s25  }
0x25d: {  	s22 =	sshrl.u32 s22, $0x3  }
0x25e: {  	s16 =	simm.s32 $0x18030;
	s22 =	sadd.s32 s2, s22  }
0x25f: {  	[spmem:s16@s7], [sflag:s23] =	dma.strided [hbm:s22@s7], $0x1800, s6, $0x10   }
0x260: {  	s22 =	sld [smem:$0x44];
	_ =	sdelay $0x3  }
0x261: {  	s17 =	sshrl.u32 s22, $0x3  }
0x262: {  	s22 =	sshll.u32 s22, $0x7;
	s25 =	smul.u32 $0x60000, s17  }
0x263: {  	s22 =	sand.u32 $0x380, s22  }
0x264: {  	s22 =	sor.u32 s22, s25  }
0x265: {  	s22 =	sshrl.u32 s22, $0x3  }
0x266: {  	s25 =	simm.s32 $0x18040;
	s22 =	sadd.s32 s2, s22  }
0x267: {  	[spmem:s25@s7], [sflag:s23] =	dma.strided [hbm:s22@s7], $0x1800, s6, $0x10   }
0x268: {  	s22 =	sld [smem:$0x45];
	_ =	sdelay $0x3  }
0x269: {  	s13 =	sshrl.u32 s22, $0x3  }
0x26a: {  	s22 =	sshll.u32 s22, $0x7;
	s25 =	smul.u32 $0x60000, s13  }
0x26b: {  	s22 =	sand.u32 $0x380, s22  }
0x26c: {  	s22 =	sor.u32 s22, s25  }
0x26d: {  	s22 =	sshrl.u32 s22, $0x3  }
0x26e: {  	s22 =	sadd.s32 s2, s22  }
0x26f: {  	[spmem:s31@s7], [sflag:s23] =	dma.strided [hbm:s22@s7], $0x1800, s6, $0x10   }
0x270: {  	s22 =	sld [smem:$0x46];
	_ =	sdelay $0x3  }
0x271: {  	s16 =	sshrl.u32 s22, $0x3  }
0x272: {  	s22 =	sshll.u32 s22, $0x7;
	s25 =	smul.u32 $0x60000, s16  }
0x273: {  	s22 =	sand.u32 $0x380, s22  }
0x274: {  	s22 =	sor.u32 s22, s25  }
0x275: {  	s22 =	sshrl.u32 s22, $0x3  }
0x276: {  	s22 =	sadd.s32 s2, s22  }
0x277: {  	[spmem:s30@s7], [sflag:s23] =	dma.strided [hbm:s22@s7], $0x1800, s6, $0x10   }
0x278: {  	s22 =	sld [smem:$0x47];
	_ =	sdelay $0x3  }
0x279: {  	s17 =	sshrl.u32 s22, $0x3  }
0x27a: {  	s22 =	sshll.u32 s22, $0x7;
	s25 =	smul.u32 $0x60000, s17  }
0x27b: {  	s22 =	sand.u32 $0x380, s22  }
0x27c: {  	s22 =	sor.u32 s22, s25  }
0x27d: {  	s22 =	sshrl.u32 s22, $0x3  }
0x27e: {  	s22 =	sadd.s32 s2, s22  }
0x27f: {  	[spmem:s29@s7], [sflag:s23] =	dma.strided [hbm:s22@s7], $0x1800, s6, $0x10   }
0x280: {  	_ =	swait.ge [sflag:s4], $0xC000  }
0x281: {  	[sflag:s4] =	ssyncset.done $0x0  }
0x282: {  	[sflag:s4] =	ssyncadd.s32 $0xFFFF4000  }
0x283: {  	s25 =	sld [smem:$0x48];
	_ =	sdelay $0x3  }
0x284: {  	s29 =	sshrl.u32 s25, $0x3  }
0x285: {  	s22 =	sshll.u32 s25, $0x7;
	s25 =	smul.u32 $0x60000, s29  }
0x286: {  	s22 =	sand.u32 $0x380, s22  }
0x287: {  	s22 =	sor.u32 s22, s25  }
0x288: {  	s22 =	sshrl.u32 s22, $0x3  }
0x289: {  	s22 =	sadd.s32 s2, s22  }
0x28a: {  	[spmem:s0@s7], [sflag:s8] =	dma.strided [hbm:s22@s7], $0x1800, s6, $0x10   }
0x28b: {  	s22 =	sld [smem:$0x49];
	_ =	sdelay $0x3  }
0x28c: {  	s29 =	sshrl.u32 s22, $0x3  }
0x28d: {  	s22 =	sshll.u32 s22, $0x7;
	s25 =	smul.u32 $0x60000, s29  }
0x28e: {  	s22 =	sand.u32 $0x380, s22  }
0x28f: {  	s22 =	sor.u32 s22, s25  }
0x290: {  	s22 =	sshrl.u32 s22, $0x3  }
0x291: {  	s22 =	sadd.s32 s2, s22  }
0x292: {  	[spmem:s1@s7], [sflag:s8] =	dma.strided [hbm:s22@s7], $0x1800, s6, $0x10   }
0x293: {  	s22 =	sld [smem:$0x4A];
	_ =	sdelay $0x3  }
0x294: {  	s29 =	sshrl.u32 s22, $0x3  }
0x295: {  	s22 =	sshll.u32 s22, $0x7;
	s25 =	smul.u32 $0x60000, s29  }
0x296: {  	s22 =	sand.u32 $0x380, s22  }
0x297: {  	s22 =	sor.u32 s22, s25  }
0x298: {  	s22 =	sshrl.u32 s22, $0x3  }
0x299: {  	s22 =	sadd.s32 s2, s22  }
0x29a: {  	[spmem:s9@s7], [sflag:s8] =	dma.strided [hbm:s22@s7], $0x1800, s6, $0x10   }
0x29b: {  	s22 =	sld [smem:$0x4B];
	_ =	sdelay $0x3  }
0x29c: {  	s1 =	sshrl.u32 s22, $0x3  }
0x29d: {  	s22 =	sshll.u32 s22, $0x7;
	s25 =	smul.u32 $0x60000, s1  }
0x29e: {  	s22 =	sand.u32 $0x380, s22  }
0x29f: {  	s22 =	sor.u32 s22, s25  }
0x2a0: {  	s22 =	sshrl.u32 s22, $0x3  }
0x2a1: {  	s22 =	sadd.s32 s2, s22  }
0x2a2: {  	[spmem:s10@s7], [sflag:s8] =	dma.strided [hbm:s22@s7], $0x1800, s6, $0x10   }
0x2a3: {  	s22 =	sld [smem:$0x4C];
	_ =	sdelay $0x3  }
0x2a4: {  	s9 =	sshrl.u32 s22, $0x3  }
0x2a5: {  	s22 =	sshll.u32 s22, $0x7;
	s25 =	smul.u32 $0x60000, s9  }
0x2a6: {  	s22 =	sand.u32 $0x380, s22  }
0x2a7: {  	s22 =	sor.u32 s22, s25  }
0x2a8: {  	s22 =	sshrl.u32 s22, $0x3  }
0x2a9: {  	s22 =	sadd.s32 s2, s22  }
0x2aa: {  	[spmem:s11@s7], [sflag:s8] =	dma.strided [hbm:s22@s7], $0x1800, s6, $0x10   }
0x2ab: {  	s22 =	sld [smem:$0x4D];
	_ =	sdelay $0x3  }
0x2ac: {  	s10 =	sshrl.u32 s22, $0x3  }
0x2ad: {  	s22 =	sshll.u32 s22, $0x7;
	s25 =	smul.u32 $0x60000, s10  }
0x2ae: {  	s22 =	sand.u32 $0x380, s22  }
0x2af: {  	s22 =	sor.u32 s22, s25  }
0x2b0: {  	s22 =	sshrl.u32 s22, $0x3  }
0x2b1: {  	s22 =	sadd.s32 s2, s22  }
0x2b2: {  	[spmem:s12@s7], [sflag:s8] =	dma.strided [hbm:s22@s7], $0x1800, s6, $0x10   }
0x2b3: {  	s22 =	sld [smem:$0x4E];
	_ =	sdelay $0x3  }
0x2b4: {  	s11 =	sshrl.u32 s22, $0x3  }
0x2b5: {  	s22 =	sshll.u32 s22, $0x7;
	s25 =	smul.u32 $0x60000, s11  }
0x2b6: {  	s22 =	sand.u32 $0x380, s22  }
0x2b7: {  	s22 =	sor.u32 s22, s25  }
0x2b8: {  	s22 =	sshrl.u32 s22, $0x3  }
0x2b9: {  	s22 =	sadd.s32 s2, s22  }
0x2ba: {  	[spmem:s26@s7], [sflag:s8] =	dma.strided [hbm:s22@s7], $0x1800, s6, $0x10   }
0x2bb: {  	s22 =	sld [smem:$0x4F];
	_ =	sdelay $0x3  }
0x2bc: {  	s12 =	sshrl.u32 s22, $0x3  }
0x2bd: {  	s22 =	sshll.u32 s22, $0x7;
	s25 =	smul.u32 $0x60000, s12  }
0x2be: {  	s22 =	sand.u32 $0x380, s22  }
0x2bf: {  	s22 =	sor.u32 s22, s25  }
0x2c0: {  	s22 =	sshrl.u32 s22, $0x3  }
0x2c1: {  	s22 =	sadd.s32 s2, s22  }
0x2c2: {  	[spmem:s28@s7], [sflag:s8] =	dma.strided [hbm:s22@s7], $0x1800, s6, $0x10   }
0x2c3: {  	_ =	swait.ge [sflag:s5], $0xC000  }
0x2c4: {  	[sflag:s5] =	ssyncset.done $0x0  }
0x2c5: {  	s22 =	sadd.s32 $0x0, s18;
	[sflag:s5] =	ssyncadd.s32 $0xFFFF4000  }
0x2c6: {  	s26 =	sadd.s32 $0x30000, s22  }
0x2c7: {  	[hbm:s26], [sflag:s19] =	dma.local [spmem:s3], $0xC000  }
0x2c8: {  	_ =	swait.ge [sflag:s14], $0xC000  }
0x2c9: {  	[sflag:s14] =	ssyncset.done $0x0  }
0x2ca: {  	[sflag:s14] =	ssyncadd.s32 $0xFFFF4000  }
0x2cb: {  	s28 =	sadd.s32 $0x3C000, s22  }
0x2cc: {  	[hbm:s28], [sflag:s20] =	dma.local [spmem:s15], $0xC000  }
0x2cd: {  	s13 =	simm.s32 $0x18050;
	_ =	swait.ge [sflag:s23], $0xC000  }
0x2ce: {  	s31 =	simm.s32 $0x24020;
	s16 =	simm.s32 $0x18060;
	[sflag:s23] =	ssyncset.done $0x0  }
0x2cf: {  	s30 =	simm.s32 $0x24010;
	s17 =	simm.s32 $0x18070;
	[sflag:s23] =	ssyncadd.s32 $0xFFFF4000  }
0x2d0: {  	s1 =	simm.s32 $0x24030;
	s9 =	simm.s32 $0x24040;
	s29 =	sadd.s32 $0x48000, s22  }
0x2d1: {  	[hbm:s29], [sflag:s21] =	dma.local [spmem:s24], $0xC000  }
0x2d2: {  	s10 =	simm.s32 $0x24050;
	s11 =	simm.s32 $0x24060;
	_ =	swait.ge [sflag:s8], $0xC000  }
0x2d3: {  	s12 =	simm.s32 $0x24070;
	s25 =	simm.s32 $0x6F;
	[sflag:s8] =	ssyncset.done $0x0  }
0x2d4: {  	s26 =	sadd.s32 $0x54000, s22;
	s22 =	simm.s32 $0x30000;
	[sflag:s8] =	ssyncadd.s32 $0xFFFF4000  }
.LBB1_1:
0x2d5: {  	[hbm:s26], [sflag:s4] =	dma.local [spmem:s0], $0xC000  }
0x2d6: {  	s26 =	smov.u32 s22  }
0x2d7: {  	p0 =	sne.s32 s22, $0x2A0000;
	s22 =	sadd.s32 $0x30000, s22;
	_ =	swait.ge [sflag:s19], $0xC000  }
0x2d8: {  	[sflag:s19] =	ssyncset.done $0x0  }
0x2d9: {  	[sflag:s19] =	ssyncadd.s32 $0xFFFF4000  }
0x2da: {  	s28 =	sld [smem:s25+$0xFFFFFFE1];
	_ =	sdelay $0x3  }
0x2db: {  	s29 =	sshrl.u32 s28, $0x3;
	s28 =	sshll.u32 s28, $0x7  }
0x2dc: {  	s29 =	smul.u32 $0x60000, s29  }
0x2dd: {  	s28 =	sand.u32 $0x380, s28  }
0x2de: {  	s28 =	sor.u32 s28, s29  }
0x2df: {  	s28 =	sshrl.u32 s28, $0x3  }
0x2e0: {  	s28 =	sadd.s32 s2, s28  }
0x2e1: {  	[spmem:s3@s7], [sflag:s5] =	dma.strided [hbm:s28@s7], $0x1800, s6, $0x10   }
0x2e2: {  	s28 =	sld [smem:s25+$0xFFFFFFE2];
	_ =	sdelay $0x3  }
0x2e3: {  	s29 =	sshrl.u32 s28, $0x3;
	s28 =	sshll.u32 s28, $0x7  }
0x2e4: {  	s29 =	smul.u32 $0x60000, s29  }
0x2e5: {  	s28 =	sand.u32 $0x380, s28  }
0x2e6: {  	s28 =	sor.u32 s28, s29  }
0x2e7: {  	s28 =	sshrl.u32 s28, $0x3  }
0x2e8: {  	s28 =	sadd.s32 s2, s28  }
0x2e9: {  	[spmem:s4@s7], [sflag:s5] =	dma.strided [hbm:s28@s7], $0x1800, s6, $0x10   }
0x2ea: {  	s28 =	sld [smem:s25+$0xFFFFFFE3];
	_ =	sdelay $0x3  }
0x2eb: {  	s29 =	sshrl.u32 s28, $0x3;
	s28 =	sshll.u32 s28, $0x7  }
0x2ec: {  	s29 =	smul.u32 $0x60000, s29  }
0x2ed: {  	s28 =	sand.u32 $0x380, s28  }
0x2ee: {  	s28 =	sor.u32 s28, s29  }
0x2ef: {  	s28 =	sshrl.u32 s28, $0x3  }
0x2f0: {  	s29 =	simm.s32 $0x20;
	s28 =	sadd.s32 s2, s28  }
0x2f1: {  	[spmem:s29@s7], [sflag:s5] =	dma.strided [hbm:s28@s7], $0x1800, s6, $0x10   }
0x2f2: {  	s28 =	sld [smem:s25+$0xFFFFFFE4];
	_ =	sdelay $0x3  }
0x2f3: {  	s29 =	sshrl.u32 s28, $0x3;
	s28 =	sshll.u32 s28, $0x7  }
0x2f4: {  	s29 =	smul.u32 $0x60000, s29  }
0x2f5: {  	s28 =	sand.u32 $0x380, s28  }
0x2f6: {  	s28 =	sor.u32 s28, s29  }
0x2f7: {  	s28 =	sshrl.u32 s28, $0x3  }
0x2f8: {  	s29 =	simm.s32 $0x30;
	s28 =	sadd.s32 s2, s28  }
0x2f9: {  	[spmem:s29@s7], [sflag:s5] =	dma.strided [hbm:s28@s7], $0x1800, s6, $0x10   }
0x2fa: {  	s28 =	sld [smem:s25+$0xFFFFFFE5];
	_ =	sdelay $0x3  }
0x2fb: {  	s29 =	sshrl.u32 s28, $0x3;
	s28 =	sshll.u32 s28, $0x7  }
0x2fc: {  	s29 =	smul.u32 $0x60000, s29  }
0x2fd: {  	s28 =	sand.u32 $0x380, s28  }
0x2fe: {  	s28 =	sor.u32 s28, s29  }
0x2ff: {  	s28 =	sshrl.u32 s28, $0x3  }
0x300: {  	s29 =	simm.s32 $0x40;
	s28 =	sadd.s32 s2, s28  }
0x301: {  	[spmem:s29@s7], [sflag:s5] =	dma.strided [hbm:s28@s7], $0x1800, s6, $0x10   }
0x302: {  	s28 =	sld [smem:s25+$0xFFFFFFE6];
	_ =	sdelay $0x3  }
0x303: {  	s29 =	sshrl.u32 s28, $0x3;
	s28 =	sshll.u32 s28, $0x7  }
0x304: {  	s29 =	smul.u32 $0x60000, s29  }
0x305: {  	s28 =	sand.u32 $0x380, s28  }
0x306: {  	s28 =	sor.u32 s28, s29  }
0x307: {  	s28 =	sshrl.u32 s28, $0x3  }
0x308: {  	s29 =	simm.s32 $0x50;
	s28 =	sadd.s32 s2, s28  }
0x309: {  	[spmem:s29@s7], [sflag:s5] =	dma.strided [hbm:s28@s7], $0x1800, s6, $0x10   }
0x30a: {  	s28 =	sld [smem:s25+$0xFFFFFFE7];
	_ =	sdelay $0x3  }
0x30b: {  	s29 =	sshrl.u32 s28, $0x3;
	s28 =	sshll.u32 s28, $0x7  }
0x30c: {  	s29 =	smul.u32 $0x60000, s29  }
0x30d: {  	s28 =	sand.u32 $0x380, s28  }
0x30e: {  	s28 =	sor.u32 s28, s29  }
0x30f: {  	s28 =	sshrl.u32 s28, $0x3  }
0x310: {  	s29 =	simm.s32 $0x60;
	s28 =	sadd.s32 s2, s28  }
0x311: {  	[spmem:s29@s7], [sflag:s5] =	dma.strided [hbm:s28@s7], $0x1800, s6, $0x10   }
0x312: {  	s28 =	sld [smem:s25+$0xFFFFFFE8];
	_ =	sdelay $0x3  }
0x313: {  	s29 =	sshrl.u32 s28, $0x3;
	s28 =	sshll.u32 s28, $0x7  }
0x314: {  	s29 =	smul.u32 $0x60000, s29  }
0x315: {  	s28 =	sand.u32 $0x380, s28  }
0x316: {  	s28 =	sor.u32 s28, s29  }
0x317: {  	s28 =	sshrl.u32 s28, $0x3  }
0x318: {  	s29 =	simm.s32 $0x70;
	s28 =	sadd.s32 s2, s28  }
0x319: {  	[spmem:s29@s7], [sflag:s5] =	dma.strided [hbm:s28@s7], $0x1800, s6, $0x10   }
0x31a: {  	_ =	swait.ge [sflag:s20], $0xC000  }
0x31b: {  	[sflag:s20] =	ssyncset.done $0x0  }
0x31c: {  	[sflag:s20] =	ssyncadd.s32 $0xFFFF4000  }
0x31d: {  	s28 =	sld [smem:s25+$0xFFFFFFE9];
	_ =	sdelay $0x3  }
0x31e: {  	s29 =	sshrl.u32 s28, $0x3;
	s28 =	sshll.u32 s28, $0x7  }
0x31f: {  	s29 =	smul.u32 $0x60000, s29  }
0x320: {  	s28 =	sand.u32 $0x380, s28  }
0x321: {  	s28 =	sor.u32 s28, s29  }
0x322: {  	s28 =	sshrl.u32 s28, $0x3  }
0x323: {  	s28 =	sadd.s32 s2, s28  }
0x324: {  	[spmem:s15@s7], [sflag:s14] =	dma.strided [hbm:s28@s7], $0x1800, s6, $0x10   }
0x325: {  	s28 =	sld [smem:s25+$0xFFFFFFEA];
	_ =	sdelay $0x3  }
0x326: {  	s29 =	sshrl.u32 s28, $0x3;
	s28 =	sshll.u32 s28, $0x7  }
0x327: {  	s29 =	smul.u32 $0x60000, s29  }
0x328: {  	s28 =	sand.u32 $0x380, s28  }
0x329: {  	s28 =	sor.u32 s28, s29  }
0x32a: {  	s28 =	sshrl.u32 s28, $0x3  }
0x32b: {  	s29 =	simm.s32 $0xC010;
	s28 =	sadd.s32 s2, s28  }
0x32c: {  	[spmem:s29@s7], [sflag:s14] =	dma.strided [hbm:s28@s7], $0x1800, s6, $0x10   }
0x32d: {  	s28 =	sld [smem:s25+$0xFFFFFFEB];
	_ =	sdelay $0x3  }
0x32e: {  	s29 =	sshrl.u32 s28, $0x3;
	s28 =	sshll.u32 s28, $0x7  }
0x32f: {  	s29 =	smul.u32 $0x60000, s29  }
0x330: {  	s28 =	sand.u32 $0x380, s28  }
0x331: {  	s28 =	sor.u32 s28, s29  }
0x332: {  	s28 =	sshrl.u32 s28, $0x3  }
0x333: {  	s29 =	simm.s32 $0xC020;
	s28 =	sadd.s32 s2, s28  }
0x334: {  	[spmem:s29@s7], [sflag:s14] =	dma.strided [hbm:s28@s7], $0x1800, s6, $0x10   }
0x335: {  	s28 =	sld [smem:s25+$0xFFFFFFEC];
	_ =	sdelay $0x3  }
0x336: {  	s29 =	sshrl.u32 s28, $0x3;
	s28 =	sshll.u32 s28, $0x7  }
0x337: {  	s29 =	smul.u32 $0x60000, s29  }
0x338: {  	s28 =	sand.u32 $0x380, s28  }
0x339: {  	s28 =	sor.u32 s28, s29  }
0x33a: {  	s28 =	sshrl.u32 s28, $0x3  }
0x33b: {  	s29 =	simm.s32 $0xC030;
	s28 =	sadd.s32 s2, s28  }
0x33c: {  	[spmem:s29@s7], [sflag:s14] =	dma.strided [hbm:s28@s7], $0x1800, s6, $0x10   }
0x33d: {  	s28 =	sld [smem:s25+$0xFFFFFFED];
	_ =	sdelay $0x3  }
0x33e: {  	s29 =	sshrl.u32 s28, $0x3;
	s28 =	sshll.u32 s28, $0x7  }
0x33f: {  	s29 =	smul.u32 $0x60000, s29  }
0x340: {  	s28 =	sand.u32 $0x380, s28  }
0x341: {  	s28 =	sor.u32 s28, s29  }
0x342: {  	s28 =	sshrl.u32 s28, $0x3  }
0x343: {  	s29 =	simm.s32 $0xC040;
	s28 =	sadd.s32 s2, s28  }
0x344: {  	[spmem:s29@s7], [sflag:s14] =	dma.strided [hbm:s28@s7], $0x1800, s6, $0x10   }
0x345: {  	s28 =	sld [smem:s25+$0xFFFFFFEE];
	_ =	sdelay $0x3  }
0x346: {  	s29 =	sshrl.u32 s28, $0x3;
	s28 =	sshll.u32 s28, $0x7  }
0x347: {  	s29 =	smul.u32 $0x60000, s29  }
0x348: {  	s28 =	sand.u32 $0x380, s28  }
0x349: {  	s28 =	sor.u32 s28, s29  }
0x34a: {  	s28 =	sshrl.u32 s28, $0x3  }
0x34b: {  	s29 =	simm.s32 $0xC050;
	s28 =	sadd.s32 s2, s28  }
0x34c: {  	[spmem:s29@s7], [sflag:s14] =	dma.strided [hbm:s28@s7], $0x1800, s6, $0x10   }
0x34d: {  	s28 =	sld [smem:s25+$0xFFFFFFEF];
	_ =	sdelay $0x3  }
0x34e: {  	s29 =	sshrl.u32 s28, $0x3;
	s28 =	sshll.u32 s28, $0x7  }
0x34f: {  	s29 =	smul.u32 $0x60000, s29  }
0x350: {  	s28 =	sand.u32 $0x380, s28  }
0x351: {  	s28 =	sor.u32 s28, s29  }
0x352: {  	s28 =	sshrl.u32 s28, $0x3  }
0x353: {  	s29 =	simm.s32 $0xC060;
	s28 =	sadd.s32 s2, s28  }
0x354: {  	[spmem:s29@s7], [sflag:s14] =	dma.strided [hbm:s28@s7], $0x1800, s6, $0x10   }
0x355: {  	s28 =	sld [smem:s25+$0xFFFFFFF0];
	_ =	sdelay $0x3  }
0x356: {  	s29 =	sshrl.u32 s28, $0x3;
	s28 =	sshll.u32 s28, $0x7  }
0x357: {  	s29 =	smul.u32 $0x60000, s29  }
0x358: {  	s28 =	sand.u32 $0x380, s28  }
0x359: {  	s28 =	sor.u32 s28, s29  }
0x35a: {  	s28 =	sshrl.u32 s28, $0x3  }
0x35b: {  	s29 =	simm.s32 $0xC070;
	s28 =	sadd.s32 s2, s28  }
0x35c: {  	[spmem:s29@s7], [sflag:s14] =	dma.strided [hbm:s28@s7], $0x1800, s6, $0x10   }
0x35d: {  	_ =	swait.ge [sflag:s21], $0xC000  }
0x35e: {  	[sflag:s21] =	ssyncset.done $0x0  }
0x35f: {  	[sflag:s21] =	ssyncadd.s32 $0xFFFF4000  }
0x360: {  	s28 =	sld [smem:s25+$0xFFFFFFF1];
	_ =	sdelay $0x3  }
0x361: {  	s29 =	sshrl.u32 s28, $0x3;
	s28 =	sshll.u32 s28, $0x7  }
0x362: {  	s29 =	smul.u32 $0x60000, s29  }
0x363: {  	s28 =	sand.u32 $0x380, s28  }
0x364: {  	s28 =	sor.u32 s28, s29  }
0x365: {  	s28 =	sshrl.u32 s28, $0x3  }
0x366: {  	s28 =	sadd.s32 s2, s28  }
0x367: {  	[spmem:s24@s7], [sflag:s23] =	dma.strided [hbm:s28@s7], $0x1800, s6, $0x10   }
0x368: {  	s28 =	sld [smem:s25+$0xFFFFFFF2];
	_ =	sdelay $0x3  }
0x369: {  	s29 =	sshrl.u32 s28, $0x3;
	s28 =	sshll.u32 s28, $0x7  }
0x36a: {  	s29 =	smul.u32 $0x60000, s29  }
0x36b: {  	s28 =	sand.u32 $0x380, s28  }
0x36c: {  	s28 =	sor.u32 s28, s29  }
0x36d: {  	s28 =	sshrl.u32 s28, $0x3  }
0x36e: {  	s29 =	simm.s32 $0x18010;
	s28 =	sadd.s32 s2, s28  }
0x36f: {  	[spmem:s29@s7], [sflag:s23] =	dma.strided [hbm:s28@s7], $0x1800, s6, $0x10   }
0x370: {  	s28 =	sld [smem:s25+$0xFFFFFFF3];
	_ =	sdelay $0x3  }
0x371: {  	s29 =	sshrl.u32 s28, $0x3;
	s28 =	sshll.u32 s28, $0x7  }
0x372: {  	s29 =	smul.u32 $0x60000, s29  }
0x373: {  	s28 =	sand.u32 $0x380, s28  }
0x374: {  	s28 =	sor.u32 s28, s29  }
0x375: {  	s28 =	sshrl.u32 s28, $0x3  }
0x376: {  	s29 =	simm.s32 $0x18020;
	s28 =	sadd.s32 s2, s28  }
0x377: {  	[spmem:s29@s7], [sflag:s23] =	dma.strided [hbm:s28@s7], $0x1800, s6, $0x10   }
0x378: {  	s28 =	sld [smem:s25+$0xFFFFFFF4];
	_ =	sdelay $0x3  }
0x379: {  	s29 =	sshrl.u32 s28, $0x3;
	s28 =	sshll.u32 s28, $0x7  }
0x37a: {  	s29 =	smul.u32 $0x60000, s29  }
0x37b: {  	s28 =	sand.u32 $0x380, s28  }
0x37c: {  	s28 =	sor.u32 s28, s29  }
0x37d: {  	s28 =	sshrl.u32 s28, $0x3  }
0x37e: {  	s29 =	simm.s32 $0x18030;
	s28 =	sadd.s32 s2, s28  }
0x37f: {  	[spmem:s29@s7], [sflag:s23] =	dma.strided [hbm:s28@s7], $0x1800, s6, $0x10   }
0x380: {  	s28 =	sld [smem:s25+$0xFFFFFFF5];
	_ =	sdelay $0x3  }
0x381: {  	s29 =	sshrl.u32 s28, $0x3;
	s28 =	sshll.u32 s28, $0x7  }
0x382: {  	s29 =	smul.u32 $0x60000, s29  }
0x383: {  	s28 =	sand.u32 $0x380, s28  }
0x384: {  	s28 =	sor.u32 s28, s29  }
0x385: {  	s28 =	sshrl.u32 s28, $0x3  }
0x386: {  	s29 =	simm.s32 $0x18040;
	s28 =	sadd.s32 s2, s28  }
0x387: {  	[spmem:s29@s7], [sflag:s23] =	dma.strided [hbm:s28@s7], $0x1800, s6, $0x10   }
0x388: {  	s28 =	sld [smem:s25+$0xFFFFFFF6];
	_ =	sdelay $0x3  }
0x389: {  	s29 =	sshrl.u32 s28, $0x3;
	s28 =	sshll.u32 s28, $0x7  }
0x38a: {  	s29 =	smul.u32 $0x60000, s29  }
0x38b: {  	s28 =	sand.u32 $0x380, s28  }
0x38c: {  	s28 =	sor.u32 s28, s29  }
0x38d: {  	s28 =	sshrl.u32 s28, $0x3  }
0x38e: {  	s28 =	sadd.s32 s2, s28  }
0x38f: {  	[spmem:s13@s7], [sflag:s23] =	dma.strided [hbm:s28@s7], $0x1800, s6, $0x10   }
0x390: {  	s28 =	sld [smem:s25+$0xFFFFFFF7];
	_ =	sdelay $0x3  }
0x391: {  	s29 =	sshrl.u32 s28, $0x3;
	s28 =	sshll.u32 s28, $0x7  }
0x392: {  	s29 =	smul.u32 $0x60000, s29  }
0x393: {  	s28 =	sand.u32 $0x380, s28  }
0x394: {  	s28 =	sor.u32 s28, s29  }
0x395: {  	s28 =	sshrl.u32 s28, $0x3  }
0x396: {  	s28 =	sadd.s32 s2, s28  }
0x397: {  	[spmem:s16@s7], [sflag:s23] =	dma.strided [hbm:s28@s7], $0x1800, s6, $0x10   }
0x398: {  	s28 =	sld [smem:s25+$0xFFFFFFF8];
	_ =	sdelay $0x3  }
0x399: {  	s29 =	sshrl.u32 s28, $0x3;
	s28 =	sshll.u32 s28, $0x7  }
0x39a: {  	s29 =	smul.u32 $0x60000, s29  }
0x39b: {  	s28 =	sand.u32 $0x380, s28  }
0x39c: {  	s28 =	sor.u32 s28, s29  }
0x39d: {  	s28 =	sshrl.u32 s28, $0x3  }
0x39e: {  	s28 =	sadd.s32 s2, s28  }
0x39f: {  	[spmem:s17@s7], [sflag:s23] =	dma.strided [hbm:s28@s7], $0x1800, s6, $0x10   }
0x3a0: {  	_ =	swait.ge [sflag:s4], $0xC000  }
0x3a1: {  	[sflag:s4] =	ssyncset.done $0x0  }
0x3a2: {  	[sflag:s4] =	ssyncadd.s32 $0xFFFF4000  }
0x3a3: {  	s28 =	sld [smem:s25+$0xFFFFFFF9];
	_ =	sdelay $0x3  }
0x3a4: {  	s29 =	sshrl.u32 s28, $0x3;
	s28 =	sshll.u32 s28, $0x7  }
0x3a5: {  	s29 =	smul.u32 $0x60000, s29  }
0x3a6: {  	s28 =	sand.u32 $0x380, s28  }
0x3a7: {  	s28 =	sor.u32 s28, s29  }
0x3a8: {  	s28 =	sshrl.u32 s28, $0x3  }
0x3a9: {  	s28 =	sadd.s32 s2, s28  }
0x3aa: {  	[spmem:s0@s7], [sflag:s8] =	dma.strided [hbm:s28@s7], $0x1800, s6, $0x10   }
0x3ab: {  	s28 =	sld [smem:s25+$0xFFFFFFFA];
	_ =	sdelay $0x3  }
0x3ac: {  	s29 =	sshrl.u32 s28, $0x3;
	s28 =	sshll.u32 s28, $0x7  }
0x3ad: {  	s29 =	smul.u32 $0x60000, s29  }
0x3ae: {  	s28 =	sand.u32 $0x380, s28  }
0x3af: {  	s28 =	sor.u32 s28, s29  }
0x3b0: {  	s28 =	sshrl.u32 s28, $0x3  }
0x3b1: {  	s28 =	sadd.s32 s2, s28  }
0x3b2: {  	[spmem:s30@s7], [sflag:s8] =	dma.strided [hbm:s28@s7], $0x1800, s6, $0x10   }
0x3b3: {  	s28 =	sld [smem:s25+$0xFFFFFFFB];
	_ =	sdelay $0x3  }
0x3b4: {  	s29 =	sshrl.u32 s28, $0x3;
	s28 =	sshll.u32 s28, $0x7  }
0x3b5: {  	s29 =	smul.u32 $0x60000, s29  }
0x3b6: {  	s28 =	sand.u32 $0x380, s28  }
0x3b7: {  	s28 =	sor.u32 s28, s29  }
0x3b8: {  	s28 =	sshrl.u32 s28, $0x3  }
0x3b9: {  	s28 =	sadd.s32 s2, s28  }
0x3ba: {  	[spmem:s31@s7], [sflag:s8] =	dma.strided [hbm:s28@s7], $0x1800, s6, $0x10   }
0x3bb: {  	s28 =	sld [smem:s25+$0xFFFFFFFC];
	_ =	sdelay $0x3  }
0x3bc: {  	s29 =	sshrl.u32 s28, $0x3;
	s28 =	sshll.u32 s28, $0x7  }
0x3bd: {  	s29 =	smul.u32 $0x60000, s29  }
0x3be: {  	s28 =	sand.u32 $0x380, s28  }
0x3bf: {  	s28 =	sor.u32 s28, s29  }
0x3c0: {  	s28 =	sshrl.u32 s28, $0x3  }
0x3c1: {  	s28 =	sadd.s32 s2, s28  }
0x3c2: {  	[spmem:s1@s7], [sflag:s8] =	dma.strided [hbm:s28@s7], $0x1800, s6, $0x10   }
0x3c3: {  	s28 =	sld [smem:s25+$0xFFFFFFFD];
	_ =	sdelay $0x3  }
0x3c4: {  	s29 =	sshrl.u32 s28, $0x3;
	s28 =	sshll.u32 s28, $0x7  }
0x3c5: {  	s29 =	smul.u32 $0x60000, s29  }
0x3c6: {  	s28 =	sand.u32 $0x380, s28  }
0x3c7: {  	s28 =	sor.u32 s28, s29  }
0x3c8: {  	s28 =	sshrl.u32 s28, $0x3  }
0x3c9: {  	s28 =	sadd.s32 s2, s28  }
0x3ca: {  	[spmem:s9@s7], [sflag:s8] =	dma.strided [hbm:s28@s7], $0x1800, s6, $0x10   }
0x3cb: {  	s28 =	sld [smem:s25+$0xFFFFFFFE];
	_ =	sdelay $0x3  }
0x3cc: {  	s29 =	sshrl.u32 s28, $0x3;
	s28 =	sshll.u32 s28, $0x7  }
0x3cd: {  	s29 =	smul.u32 $0x60000, s29  }
0x3ce: {  	s28 =	sand.u32 $0x380, s28  }
0x3cf: {  	s28 =	sor.u32 s28, s29  }
0x3d0: {  	s28 =	sshrl.u32 s28, $0x3  }
0x3d1: {  	s28 =	sadd.s32 s2, s28  }
0x3d2: {  	[spmem:s10@s7], [sflag:s8] =	dma.strided [hbm:s28@s7], $0x1800, s6, $0x10   }
0x3d3: {  	s28 =	sld [smem:s25+$0xFFFFFFFF];
	_ =	sdelay $0x3  }
0x3d4: {  	s29 =	sshrl.u32 s28, $0x3;
	s28 =	sshll.u32 s28, $0x7  }
0x3d5: {  	s29 =	smul.u32 $0x60000, s29  }
0x3d6: {  	s28 =	sand.u32 $0x380, s28  }
0x3d7: {  	s28 =	sor.u32 s28, s29  }
0x3d8: {  	s28 =	sshrl.u32 s28, $0x3  }
0x3d9: {  	s28 =	sadd.s32 s2, s28  }
0x3da: {  	[spmem:s11@s7], [sflag:s8] =	dma.strided [hbm:s28@s7], $0x1800, s6, $0x10   }
0x3db: {  	s28 =	sld [smem:s25+$0x0];
	_ =	sdelay $0x3  }
0x3dc: {  	s29 =	sshrl.u32 s28, $0x3;
	s28 =	sshll.u32 s28, $0x7  }
0x3dd: {  	s29 =	smul.u32 $0x60000, s29  }
0x3de: {  	s28 =	sand.u32 $0x380, s28  }
0x3df: {  	s28 =	sor.u32 s28, s29  }
0x3e0: {  	s28 =	sshrl.u32 s28, $0x3  }
0x3e1: {  	s28 =	sadd.s32 s2, s28  }
0x3e2: {  	[spmem:s12@s7], [sflag:s8] =	dma.strided [hbm:s28@s7], $0x1800, s6, $0x10   }
0x3e3: {  	_ =	swait.ge [sflag:s5], $0xC000  }
0x3e4: {  	s26 =	sadd.s32 s26, s18;
	[sflag:s5] =	ssyncset.done $0x0  }
0x3e5: {  	s28 =	sadd.s32 $0x30000, s26;
	[sflag:s5] =	ssyncadd.s32 $0xFFFF4000  }
0x3e6: {  	[hbm:s28], [sflag:s19] =	dma.local [spmem:s3], $0xC000  }
0x3e7: {  	_ = 	snop  }
0x3e8: {  	_ =	swait.ge [sflag:s14], $0xC000  }
0x3e9: {  	[sflag:s14] =	ssyncset.done $0x0  }
0x3ea: {  	s28 =	sadd.s32 $0x3C000, s26;
	[sflag:s14] =	ssyncadd.s32 $0xFFFF4000  }
0x3eb: {  	[hbm:s28], [sflag:s20] =	dma.local [spmem:s15], $0xC000  }
0x3ec: {  	_ = 	snop  }
0x3ed: {  	_ =	swait.ge [sflag:s23], $0xC000  }
0x3ee: {  	[sflag:s23] =	ssyncset.done $0x0  }
0x3ef: {  	s28 =	sadd.s32 $0x48000, s26;
	[sflag:s23] =	ssyncadd.s32 $0xFFFF4000  }
0x3f0: {  	[hbm:s28], [sflag:s21] =	dma.local [spmem:s24], $0xC000  }
.Ltmp0:
0x3f1: {  	(pc) =	sbr.rel @p0 .LBB1_1-.Ltmp0, $3  }
0x3f2: {  	_ =	swait.ge [sflag:s8], $0xC000  }
0x3f3: {  	[sflag:s8] =	ssyncset.done $0x0  }
0x3f4: {  	s25 =	sadd.s32 $0x20, s25;
	s26 =	sadd.s32 $0x54000, s26;
	[sflag:s8] =	ssyncadd.s32 $0xFFFF4000  }
0x3f5: {  	[hbm:s26], [sflag:s4] =	dma.local [spmem:s0], $0xC000  }
0x3f6: {  	s25 =	simm.s32 $0xD  }
0x3f7: {  	_ =	swait.ge [sflag:s25], $0xC000  }
0x3f8: {  	[sflag:s25] =	ssyncset.done $0x0  }
0x3f9: {  	[sflag:s25] =	ssyncadd.s32 $0xFFFF4000;
	_ =	sdelay $0x1  }
0x3fa: {  	s26 =	simm.s32 $0xE  }
0x3fb: {  	_ =	swait.ge [sflag:s26], $0xC000  }
0x3fc: {  	[sflag:s26] =	ssyncset.done $0x0  }
0x3fd: {  	[sflag:s26] =	ssyncadd.s32 $0xFFFF4000;
	_ =	sdelay $0x1  }
0x3fe: {  	s28 =	simm.s32 $0xF  }
0x3ff: {  	_ =	swait.ge [sflag:s28], $0xC000  }
0x400: {  	[sflag:s28] =	ssyncset.done $0x0  }
0x401: {  	[sflag:s28] =	ssyncadd.s32 $0xFFFF4000;
	_ =	sdelay $0x1  }
0x402: {  	s29 =	simm.s32 $0x10  }
0x403: {  	_ =	swait.ge [sflag:s29], $0xC000  }
0x404: {  	[sflag:s29] =	ssyncset.done $0x0  }
0x405: {  	[sflag:s29] =	ssyncadd.s32 $0xFFFF4000  }
0x406: {  	_ =	strace $0x90000046  }
0x407: {  	_ =	sfence  }
0x408: {  	s30 =	sld [smem:$0x0];
	_ =	sdelay $0x1  }
0x409: {  	s2 =	srdreg.scid  }
0x40a: {  	s1 =	sshll.u32 s2, $0xD;
	s2 =	sshrl.u32 s2, $0x2  }
0x40b: {  	s1 =	sand.u32 $0x4000, s1;
	s31 =	rddreg [dreg:$0x0];
	s0 =	sadd.s32 s2, s30  }
0x40c: {  	s1 =	sor.u32 s1, s31;
	s0 =	sshll.u32 s0, $0x11  }
0x40d: {  	s0 =	sor.u32 s0, s1  }
0x40e: {  	s0 =	sadd.s32 $0x8F2B, s0;
	(pc) =	sbr.abs _section_cstart, $3  }
0x40f: {  	[sflag:s0] =	ssyncadd.remote.s32 $0x1  }
0x410: {  	_ =	strace $0x9FFFFFFF  }
0x411: {  	(tm) =	ssettm $0x7FFFFFFF  }

</sc_bundles>
